<compile_context>
chip_gen: v7x
topology: tpu7x:2x2x1
jax: 0.10.2.dev20260603
libtpu: 0.0.44.dev20260713+nightly
codegen_flags: <defaults>
</compile_context>

<pallas_src>
import functools

import jax
import jax.numpy as jnp
from jax import lax
from jax.experimental import pallas as pl
from jax.experimental.pallas import tpu as pltpu
from jax.experimental.pallas import tpu_sc as plsc

_N = 262144
_R = 4096
_D = 32
_SB = 256
_NSUB = 32
_B = _SB * _NSUB
_NB = _N // _B

_SC_SUB = 16
_SC_CHUNK = _N // _SC_SUB
_SC_T = 1024
_SC_NT = _SC_CHUNK // _SC_T
_R_SLICE = _R // _SC_SUB


def _seg_psum(ids, v):
    pos_c = jax.lax.broadcasted_iota(jnp.int32, (_SB, 1), 0)
    pos_r = jax.lax.broadcasted_iota(jnp.int32, (1, _SB), 1)
    kc = ids.reshape(_SB, 1) * _SB + pos_c
    kr = ids.reshape(1, _SB) * _SB + pos_r
    maskf = ((kc - kr).astype(jnp.uint32) < _SB).astype(jnp.float32)
    return jax.lax.dot_general(
        maskf, v, (((1,), (0,)), ((), ())), preferred_element_type=jnp.float32
    )


def _scan_body(v_ref, ids_ref, out_ref, carry_ref, cid_ref):
    b = pl.program_id(0)

    @pl.when(b == 0)
    def _init():
        carry_ref[...] = jnp.zeros((1, _D), jnp.float32)
        cid_ref[0] = jnp.int32(-1)

    ids = ids_ref[0, 0, :]
    prev_id = cid_ref[0]
    carry = carry_ref[...]

    off = 0
    for _ in range(_NSUB):
        ids_s = lax.slice(ids, (off,), (off + _SB,))
        v_s = v_ref[pl.ds(off, _SB), :]
        ps = _seg_psum(ids_s, v_s)
        match = (ids_s == prev_id).astype(jnp.float32).reshape(_SB, 1)
        out = ps + match * carry
        out_ref[pl.ds(off, _SB), :] = out
        carry = out[_SB - 1 :, :]
        prev_id = ids_s[_SB - 1]
        off += _SB

    carry_ref[...] = carry
    cid_ref[0] = prev_id


def _per_sample_call(sample_values, ids3):
    n, d = sample_values.shape
    nb = n // _B
    return pl.pallas_call(
        _scan_body,
        grid=(nb,),
        in_specs=[
            pl.BlockSpec((_B, d), lambda i: (i, 0)),
            pl.BlockSpec((1, 1, _B), lambda i: (i, 0, 0)),
        ],
        out_specs=pl.BlockSpec((_B, d), lambda i: (i, 0)),
        out_shape=jax.ShapeDtypeStruct((n, d), jnp.float32),
        scratch_shapes=[
            pltpu.VMEM((1, _D), jnp.float32),
            pltpu.SMEM((1,), jnp.int32),
        ],
        compiler_params=pltpu.CompilerParams(
            dimension_semantics=("arbitrary",)
        ),
    )(sample_values, ids3)


def _sc_perray_body(v_hbm, ids_hbm, out_hbm, acc, zbuf, rows, idx):
    cid = lax.axis_index("c")
    sid = lax.axis_index("s")

    @pl.when(cid == 0)
    def _core0():
        def _zb(i, c):
            zbuf[i, pl.ds(0, 16)] = jnp.zeros((16,), jnp.float32)
            zbuf[i, pl.ds(16, 16)] = jnp.zeros((16,), jnp.float32)
            return c

        lax.fori_loop(0, _R_SLICE, _zb, 0)
        racc0 = pl.multiple_of(sid * _R_SLICE, 8)
        pltpu.sync_copy(zbuf, acc.at[pl.ds(racc0, _R_SLICE)])
        plsc.subcore_barrier()

        def _tile(t, c):
            off = pl.multiple_of(sid * _SC_CHUNK + t * _SC_T, 8)
            pltpu.sync_copy(v_hbm.at[pl.ds(off, _SC_T)], rows)
            ioff = pl.multiple_of(
                sid * (_SC_CHUNK // 128) + t * (_SC_T // 128), 8
            )
            pltpu.sync_copy(ids_hbm.at[pl.ds(ioff, _SC_T // 128)], idx)
            for j in range(_SC_T // 128):
                pltpu.sync_copy(
                    rows.at[pl.ds(j * 128, 128)], acc.at[idx.at[j]], add=True
                )
            return c

        lax.fori_loop(0, _SC_NT, _tile, 0)

        plsc.subcore_barrier()
        pltpu.sync_copy(
            acc.at[pl.ds(sid * _R_SLICE, _R_SLICE)],
            out_hbm.at[pl.ds(sid * _R_SLICE, _R_SLICE)],
        )


@functools.partial(
    pl.kernel,
    out_type=jax.ShapeDtypeStruct((_R, _D), jnp.float32),
    mesh=plsc.VectorSubcoreMesh(core_axis_name="c", subcore_axis_name="s"),
    compiler_params=pltpu.CompilerParams(use_tc_tiling_on_sc=False),
    scratch_types=[
        pltpu.VMEM_SHARED((_R, _D), jnp.float32),
        pltpu.VMEM((_R_SLICE, _D), jnp.float32),
        pltpu.VMEM((_SC_T, _D), jnp.float32),
        pltpu.VMEM((_SC_T // 128, 128), jnp.int32),
    ],
)
def _per_ray_call(v_hbm, ids_hbm, out_hbm, acc, zbuf, rows, idx):
    _sc_perray_body(v_hbm, ids_hbm, out_hbm, acc, zbuf, rows, idx)


@jax.jit
def kernel(sample_values, ray_ids):
    n, d = sample_values.shape
    nb = n // _B
    ids32 = ray_ids.astype(jnp.int32)
    ids3 = ids32.reshape(nb, 1, _B)
    ids2d = ids32.reshape(n // 128, 128)

    out_ray = _per_ray_call(sample_values, ids2d)
    out_sample = _per_sample_call(sample_values, ids3)
    return out_ray, out_sample

# --- scband reference (transcript-rebuilt; emitter-appended) ---
"""Pipeline reference for scband-sum-over-ray-module-89790586290718 (READ-ONLY COPY).

The authoritative reference and input builder live on the scoring server;
editing this copy changes nothing except your own understanding.
"""

import jax, jax.numpy as jnp
import numpy as np

N_SAMPLES = 262144
N_RAYS = 4096
D = 32


def setup_inputs(seed: int = 0) -> dict:
    key = jax.random.key(seed)
    k1, k2 = jax.random.split(key)
    sample_values = jax.random.normal(k1, (N_SAMPLES, D), dtype=jnp.float32)
    ray_ids = jnp.sort(jax.random.randint(k2, (N_SAMPLES,), 0, N_RAYS, dtype=jnp.int64))
    return {"sample_values": sample_values, "ray_ids": ray_ids}


def reference(sample_values, ray_ids):
    # SumOverRay: for each ray, sum its packed sample values ->
    #   values_sum_per_ray    : [n_rays, D]  total sum over the ray
    #   values_sum_per_sample : [N, D]       inclusive running sum within each ray
    n = sample_values.shape[0]
    d = sample_values.shape[1]

    # per-ray segment sum (scatter-add)
    values_sum_per_ray = jax.ops.segment_sum(sample_values, ray_ids, num_segments=N_RAYS)

    # per-sample inclusive cumulative sum within each ray:
    # global cumsum, then subtract the exclusive-cumsum value at each ray's first sample
    csum = jnp.cumsum(sample_values, axis=0)
    excl = jnp.concatenate([jnp.zeros((1, d), dtype=sample_values.dtype), csum[:-1]], axis=0)
    first_idx = jax.ops.segment_min(jnp.arange(n), ray_ids, num_segments=N_RAYS)
    first_idx = jnp.clip(first_idx, 0, n - 1)
    seg_offset = excl[first_idx]  # [n_rays, D]
    values_sum_per_sample = csum - seg_offset[ray_ids]

    return (values_sum_per_ray, values_sum_per_sample)

if __name__ == "__main__":
    import jax
    _d = setup_inputs()
    print(jax.jit(kernel)(*tuple(_d.values())))

</pallas_src>

<mosaic_0001>
#map = affine_map<(d0, d1) -> (0, 0)>
module attributes {stable_mosaic.version = 14 : i64} {
  func.func @_per_ray_call(%arg0: i32, %arg1: i32, %arg2: memref<262144x32xf32, #tpu.memory_space<hbm>>, %arg3: memref<2048x128xi32, #tpu.memory_space<hbm>>, %arg4: memref<4096x32xf32, #tpu.memory_space<hbm>>, %arg5: memref<4096x32xf32, #tpu.memory_space<vmem_shared>>, %arg6: memref<256x32xf32, #tpu.memory_space<vmem>>, %arg7: memref<1024x32xf32, #tpu.memory_space<vmem>>, %arg8: memref<8x128xi32, #tpu.memory_space<vmem>>) attributes {dimension_semantics = [#tpu.dimension_semantics<core_parallel>, #tpu.dimension_semantics<subcore_parallel>], iteration_bounds = array<i64: 2, 16>, scalar_prefetch = 0 : i64, scratch_operands = 4 : i64, tpu.core_type = #tpu.core_type<sc_vector_subcore>, window_params = [{transform_indices = #map}, {transform_indices = #map}, {transform_indices = #map}]} {
    %eq3A = arith.constant 0 : i32
    %eq3A_0 = arith.cmpi eq, %arg0, %eq3A : i32
    %convert_element_type3A = arith.extui %eq3A_0 : i1 to i32
    %cond3A = arith.constant 0 : i32
    %cond3A_1 = arith.cmpi ne, %convert_element_type3A, %cond3A : i32
    scf.if %cond3A_1 {
      %scan3A = arith.constant 0 : i32
      %scan3A_2 = arith.constant 0 : i32
      %scan3A_3 = arith.constant 256 : i32
      %scan3A_4 = arith.addi %scan3A_2, %scan3A_3 : i32
      %scan3A_5 = arith.constant 1 : i32
      scf.for %scan3A_19 = %scan3A_2 to %scan3A_4 step %scan3A_5  : i32 {
        %broadcast_in_dim3A = arith.constant 0.000000e+00 : f32
        %broadcast_in_dim3A_20 = vector.broadcast %broadcast_in_dim3A : f32 to vector<16xf32>
        %swap3A = arith.index_cast %scan3A_19 : i32 to index
        %swap3A_21 = arith.constant 0 : index
        %swap3A_22 = tpu.vector_load %arg6[%swap3A, %swap3A_21] {strides = array<i32>} : memref<256x32xf32, #tpu.memory_space<vmem>>, vector<1x16xf32>,
        %swap3A_23 = vector.shape_cast %swap3A_22 : vector<1x16xf32> to vector<16xf32>
        %swap3A_24 = vector.shape_cast %broadcast_in_dim3A_20 : vector<16xf32> to vector<1x16xf32>
        tpu.vector_store %arg6[%swap3A, %swap3A_21], %swap3A_24 {strides = array<i32>} : memref<256x32xf32, #tpu.memory_space<vmem>>, vector<1x16xf32>,
        %broadcast_in_dim3A_25 = arith.constant 0.000000e+00 : f32
        %broadcast_in_dim3A_26 = vector.broadcast %broadcast_in_dim3A_25 : f32 to vector<16xf32>
        %swap3A_27 = arith.index_cast %scan3A_19 : i32 to index
        %swap3A_28 = arith.constant 16 : index
        %swap3A_29 = tpu.vector_load %arg6[%swap3A_27, %swap3A_28] {strides = array<i32>} : memref<256x32xf32, #tpu.memory_space<vmem>>, vector<1x16xf32>,
        %swap3A_30 = vector.shape_cast %swap3A_29 : vector<1x16xf32> to vector<16xf32>
        %swap3A_31 = vector.shape_cast %broadcast_in_dim3A_26 : vector<16xf32> to vector<1x16xf32>
        tpu.vector_store %arg6[%swap3A_27, %swap3A_28], %swap3A_31 {strides = array<i32>} : memref<256x32xf32, #tpu.memory_space<vmem>>, vector<1x16xf32>,
      }
      %scan3A_6 = arith.constant 256 : i32
      %mul3A = arith.constant 256 : i32
      %mul3A_7 = arith.muli %arg1, %mul3A : i32
      %multiple_of3A = tpu.assume_multiple %mul3A_7, 8 : i32
      "tpu.region"() ({
        %run_scoped3A = tpu.sem_alloc : memref<!tpu.dma_semaphore, #tpu.memory_space<semaphore_mem>>
        %dma_start3A = arith.constant 0 : i32
        %dma_start3A_19 = tpu.memref_slice %arg5[%multiple_of3A, %dma_start3A] : memref<4096x32xf32, #tpu.memory_space<vmem_shared>> -> memref<256x32xf32, #tpu.memory_space<vmem_shared>>
        %dma_start3A_20 = arith.constant 0 : i32
        %dma_start3A_21 = tpu.memref_slice %arg5[%multiple_of3A, %dma_start3A_20] : memref<4096x32xf32, #tpu.memory_space<vmem_shared>> -> memref<256x32xf32, #tpu.memory_space<vmem_shared>>
        tpu.enqueue_dma source(%arg6 : memref<256x32xf32, #tpu.memory_space<vmem>>) target(%dma_start3A_21 : memref<256x32xf32, #tpu.memory_space<vmem_shared>>) target_semaphore(%run_scoped3A : memref<!tpu.dma_semaphore, #tpu.memory_space<semaphore_mem>>)
        %dma_wait3A = arith.constant 0 : i32
        %dma_wait3A_22 = tpu.memref_slice %arg5[%multiple_of3A, %dma_wait3A] : memref<4096x32xf32, #tpu.memory_space<vmem_shared>> -> memref<256x32xf32, #tpu.memory_space<vmem_shared>>
        %dma_wait3A_23 = arith.constant 0 : i32
        %dma_wait3A_24 = tpu.memref_slice %arg5[%multiple_of3A, %dma_wait3A_23] : memref<4096x32xf32, #tpu.memory_space<vmem_shared>> -> memref<256x32xf32, #tpu.memory_space<vmem_shared>>
        tpu.wait_dma2 semaphore(%run_scoped3A : memref<!tpu.dma_semaphore, #tpu.memory_space<semaphore_mem>>) src(%arg6 : memref<256x32xf32, #tpu.memory_space<vmem>>) dst(%dma_wait3A_24 : memref<256x32xf32, #tpu.memory_space<vmem_shared>>)
        tpu.yield
      }) : () -> ()
      %barrier3A = arith.constant 0 : index
      tpu.barrier barrier_id(%barrier3A)
      %scan3A_8 = arith.constant 0 : i32
      %scan3A_9 = arith.constant 0 : i32
      %scan3A_10 = arith.constant 16 : i32
      %scan3A_11 = arith.addi %scan3A_9, %scan3A_10 : i32
      %scan3A_12 = arith.constant 1 : i32
      scf.for %scan3A_19 = %scan3A_9 to %scan3A_11 step %scan3A_12  : i32 {
        %mul3A_20 = arith.constant 16384 : i32
        %mul3A_21 = arith.muli %arg1, %mul3A_20 : i32
        %mul3A_22 = arith.constant 1024 : i32
        %mul3A_23 = arith.muli %scan3A_19, %mul3A_22 : i32
        %add3A = arith.addi %mul3A_21, %mul3A_23 : i32
        %multiple_of3A_24 = tpu.assume_multiple %add3A, 8 : i32
        "tpu.region"() ({
          %run_scoped3A_38 = tpu.sem_alloc : memref<!tpu.dma_semaphore, #tpu.memory_space<semaphore_mem>>
          %dma_start3A = arith.constant 0 : i32
          %dma_start3A_39 = tpu.memref_slice %arg2[%multiple_of3A_24, %dma_start3A] : memref<262144x32xf32, #tpu.memory_space<hbm>> -> memref<1024x32xf32, #tpu.memory_space<hbm>>
          %dma_start3A_40 = arith.constant 0 : i32
          %dma_start3A_41 = tpu.memref_slice %arg2[%multiple_of3A_24, %dma_start3A_40] : memref<262144x32xf32, #tpu.memory_space<hbm>> -> memref<1024x32xf32, #tpu.memory_space<hbm>>
          tpu.enqueue_dma source(%dma_start3A_41 : memref<1024x32xf32, #tpu.memory_space<hbm>>) target(%arg7 : memref<1024x32xf32, #tpu.memory_space<vmem>>) target_semaphore(%run_scoped3A_38 : memref<!tpu.dma_semaphore, #tpu.memory_space<semaphore_mem>>)
          %dma_wait3A = arith.constant 0 : i32
          %dma_wait3A_42 = tpu.memref_slice %arg2[%multiple_of3A_24, %dma_wait3A] : memref<262144x32xf32, #tpu.memory_space<hbm>> -> memref<1024x32xf32, #tpu.memory_space<hbm>>
          %dma_wait3A_43 = arith.constant 0 : i32
          %dma_wait3A_44 = tpu.memref_slice %arg2[%multiple_of3A_24, %dma_wait3A_43] : memref<262144x32xf32, #tpu.memory_space<hbm>> -> memref<1024x32xf32, #tpu.memory_space<hbm>>
          tpu.wait_dma2 semaphore(%run_scoped3A_38 : memref<!tpu.dma_semaphore, #tpu.memory_space<semaphore_mem>>) src(%dma_wait3A_44 : memref<1024x32xf32, #tpu.memory_space<hbm>>) dst(%arg7 : memref<1024x32xf32, #tpu.memory_space<vmem>>)
          tpu.yield
        }) : () -> ()
        %mul3A_25 = arith.constant 128 : i32
        %mul3A_26 = arith.muli %arg1, %mul3A_25 : i32
        %mul3A_27 = arith.constant 8 : i32
        %mul3A_28 = arith.muli %scan3A_19, %mul3A_27 : i32
        %add3A_29 = arith.addi %mul3A_26, %mul3A_28 : i32
        %multiple_of3A_30 = tpu.assume_multiple %add3A_29, 8 : i32
        "tpu.region"() ({
          %run_scoped3A_38 = tpu.sem_alloc : memref<!tpu.dma_semaphore, #tpu.memory_space<semaphore_mem>>
          %dma_start3A = arith.constant 0 : i32
          %dma_start3A_39 = tpu.memref_slice %arg3[%multiple_of3A_30, %dma_start3A] : memref<2048x128xi32, #tpu.memory_space<hbm>> -> memref<8x128xi32, #tpu.memory_space<hbm>>
          %dma_start3A_40 = arith.constant 0 : i32
          %dma_start3A_41 = tpu.memref_slice %arg3[%multiple_of3A_30, %dma_start3A_40] : memref<2048x128xi32, #tpu.memory_space<hbm>> -> memref<8x128xi32, #tpu.memory_space<hbm>>
          tpu.enqueue_dma source(%dma_start3A_41 : memref<8x128xi32, #tpu.memory_space<hbm>>) target(%arg8 : memref<8x128xi32, #tpu.memory_space<vmem>>) target_semaphore(%run_scoped3A_38 : memref<!tpu.dma_semaphore, #tpu.memory_space<semaphore_mem>>)
          %dma_wait3A = arith.constant 0 : i32
          %dma_wait3A_42 = tpu.memref_slice %arg3[%multiple_of3A_30, %dma_wait3A] : memref<2048x128xi32, #tpu.memory_space<hbm>> -> memref<8x128xi32, #tpu.memory_space<hbm>>
          %dma_wait3A_43 = arith.constant 0 : i32
          %dma_wait3A_44 = tpu.memref_slice %arg3[%multiple_of3A_30, %dma_wait3A_43] : memref<2048x128xi32, #tpu.memory_space<hbm>> -> memref<8x128xi32, #tpu.memory_space<hbm>>
          tpu.wait_dma2 semaphore(%run_scoped3A_38 : memref<!tpu.dma_semaphore, #tpu.memory_space<semaphore_mem>>) src(%dma_wait3A_44 : memref<8x128xi32, #tpu.memory_space<hbm>>) dst(%arg8 : memref<8x128xi32, #tpu.memory_space<vmem>>)
          tpu.yield
        }) : () -> ()
        %run_scoped3A = arith.constant 0 : i32
        "tpu.region"() ({
          %run_scoped3A_38 = tpu.sem_alloc : memref<!tpu.dma_semaphore, #tpu.memory_space<semaphore_mem>>
          %dma_start3A = arith.constant 0 : i32
          %dma_start3A_39 = arith.constant 0 : i32
          %dma_start3A_40 = tpu.memref_slice %arg7[%dma_start3A, %dma_start3A_39] : memref<1024x32xf32, #tpu.memory_space<vmem>> -> memref<128x32xf32, #tpu.memory_space<vmem>>
          %dma_start3A_41 = arith.constant 0 : i32
          %dma_start3A_42 = tpu.memref_slice %arg8[%run_scoped3A, %dma_start3A_41] : memref<8x128xi32, #tpu.memory_space<vmem>> -> memref<1x128xi32, #tpu.memory_space<vmem>>
          %dma_start3A_43 = tpu.memref_squeeze %dma_start3A_42 : memref<1x128xi32, #tpu.memory_space<vmem>> -> memref<128xi32, #tpu.memory_space<vmem>>
          %dma_start3A_44 = arith.constant 0 : i32
          %dma_start3A_45 = arith.constant 0 : i32
          %dma_start3A_46 = tpu.memref_slice %arg5[%dma_start3A_44, %dma_start3A_45] : memref<4096x32xf32, #tpu.memory_space<vmem_shared>> -> memref<4096x32xf32, #tpu.memory_space<vmem_shared>>
          tpu.enqueue_indirect_dma source(%dma_start3A_40 : memref<128x32xf32, #tpu.memory_space<vmem>>) target(%dma_start3A_46 : memref<4096x32xf32, #tpu.memory_space<vmem_shared>>) offsets(%dma_start3A_43 : memref<128xi32, #tpu.memory_space<vmem>>) semaphore(%run_scoped3A_38 : memref<!tpu.dma_semaphore, #tpu.memory_space<semaphore_mem>>) {add = true}
          %dma_wait3A = arith.constant 0 : i32
          %dma_wait3A_47 = arith.constant 0 : i32
          %dma_wait3A_48 = tpu.memref_slice %arg7[%dma_wait3A, %dma_wait3A_47] : memref<1024x32xf32, #tpu.memory_space<vmem>> -> memref<128x32xf32, #tpu.memory_space<vmem>>
          %dma_wait3A_49 = arith.constant 0 : i32
          %dma_wait3A_50 = tpu.memref_slice %arg8[%run_scoped3A, %dma_wait3A_49] : memref<8x128xi32, #tpu.memory_space<vmem>> -> memref<1x128xi32, #tpu.memory_space<vmem>>
          %dma_wait3A_51 = tpu.memref_squeeze %dma_wait3A_50 : memref<1x128xi32, #tpu.memory_space<vmem>> -> memref<128xi32, #tpu.memory_space<vmem>>
          %dma_wait3A_52 = arith.constant 0 : i32
          %dma_wait3A_53 = arith.constant 0 : i32
          %dma_wait3A_54 = tpu.memref_slice %arg5[%dma_wait3A_52, %dma_wait3A_53] : memref<4096x32xf32, #tpu.memory_space<vmem_shared>> -> memref<4096x32xf32, #tpu.memory_space<vmem_shared>>
          tpu.wait_indirect_dma semaphore(%run_scoped3A_38 : memref<!tpu.dma_semaphore, #tpu.memory_space<semaphore_mem>>) src(%dma_wait3A_48 : memref<128x32xf32, #tpu.memory_space<vmem>>) dst(%dma_wait3A_54 : memref<4096x32xf32, #tpu.memory_space<vmem_shared>>)
          tpu.yield
        }) : () -> ()
        %run_scoped3A_31 = arith.constant 1 : i32
        "tpu.region"() ({
          %run_scoped3A_38 = tpu.sem_alloc : memref<!tpu.dma_semaphore, #tpu.memory_space<semaphore_mem>>
          %dma_start3A = arith.constant 128 : i32
          %dma_start3A_39 = arith.constant 0 : i32
          %dma_start3A_40 = tpu.memref_slice %arg7[%dma_start3A, %dma_start3A_39] : memref<1024x32xf32, #tpu.memory_space<vmem>> -> memref<128x32xf32, #tpu.memory_space<vmem>>
          %dma_start3A_41 = arith.constant 0 : i32
          %dma_start3A_42 = tpu.memref_slice %arg8[%run_scoped3A_31, %dma_start3A_41] : memref<8x128xi32, #tpu.memory_space<vmem>> -> memref<1x128xi32, #tpu.memory_space<vmem>>
          %dma_start3A_43 = tpu.memref_squeeze %dma_start3A_42 : memref<1x128xi32, #tpu.memory_space<vmem>> -> memref<128xi32, #tpu.memory_space<vmem>>
          %dma_start3A_44 = arith.constant 0 : i32
          %dma_start3A_45 = arith.constant 0 : i32
          %dma_start3A_46 = tpu.memref_slice %arg5[%dma_start3A_44, %dma_start3A_45] : memref<4096x32xf32, #tpu.memory_space<vmem_shared>> -> memref<4096x32xf32, #tpu.memory_space<vmem_shared>>
          tpu.enqueue_indirect_dma source(%dma_start3A_40 : memref<128x32xf32, #tpu.memory_space<vmem>>) target(%dma_start3A_46 : memref<4096x32xf32, #tpu.memory_space<vmem_shared>>) offsets(%dma_start3A_43 : memref<128xi32, #tpu.memory_space<vmem>>) semaphore(%run_scoped3A_38 : memref<!tpu.dma_semaphore, #tpu.memory_space<semaphore_mem>>) {add = true}
          %dma_wait3A = arith.constant 128 : i32
          %dma_wait3A_47 = arith.constant 0 : i32
          %dma_wait3A_48 = tpu.memref_slice %arg7[%dma_wait3A, %dma_wait3A_47] : memref<1024x32xf32, #tpu.memory_space<vmem>> -> memref<128x32xf32, #tpu.memory_space<vmem>>
          %dma_wait3A_49 = arith.constant 0 : i32
          %dma_wait3A_50 = tpu.memref_slice %arg8[%run_scoped3A_31, %dma_wait3A_49] : memref<8x128xi32, #tpu.memory_space<vmem>> -> memref<1x128xi32, #tpu.memory_space<vmem>>
          %dma_wait3A_51 = tpu.memref_squeeze %dma_wait3A_50 : memref<1x128xi32, #tpu.memory_space<vmem>> -> memref<128xi32, #tpu.memory_space<vmem>>
          %dma_wait3A_52 = arith.constant 0 : i32
          %dma_wait3A_53 = arith.constant 0 : i32
          %dma_wait3A_54 = tpu.memref_slice %arg5[%dma_wait3A_52, %dma_wait3A_53] : memref<4096x32xf32, #tpu.memory_space<vmem_shared>> -> memref<4096x32xf32, #tpu.memory_space<vmem_shared>>
          tpu.wait_indirect_dma semaphore(%run_scoped3A_38 : memref<!tpu.dma_semaphore, #tpu.memory_space<semaphore_mem>>) src(%dma_wait3A_48 : memref<128x32xf32, #tpu.memory_space<vmem>>) dst(%dma_wait3A_54 : memref<4096x32xf32, #tpu.memory_space<vmem_shared>>)
          tpu.yield
        }) : () -> ()
        %run_scoped3A_32 = arith.constant 2 : i32
        "tpu.region"() ({
          %run_scoped3A_38 = tpu.sem_alloc : memref<!tpu.dma_semaphore, #tpu.memory_space<semaphore_mem>>
          %dma_start3A = arith.constant 256 : i32
          %dma_start3A_39 = arith.constant 0 : i32
          %dma_start3A_40 = tpu.memref_slice %arg7[%dma_start3A, %dma_start3A_39] : memref<1024x32xf32, #tpu.memory_space<vmem>> -> memref<128x32xf32, #tpu.memory_space<vmem>>
          %dma_start3A_41 = arith.constant 0 : i32
          %dma_start3A_42 = tpu.memref_slice %arg8[%run_scoped3A_32, %dma_start3A_41] : memref<8x128xi32, #tpu.memory_space<vmem>> -> memref<1x128xi32, #tpu.memory_space<vmem>>
          %dma_start3A_43 = tpu.memref_squeeze %dma_start3A_42 : memref<1x128xi32, #tpu.memory_space<vmem>> -> memref<128xi32, #tpu.memory_space<vmem>>
          %dma_start3A_44 = arith.constant 0 : i32
          %dma_start3A_45 = arith.constant 0 : i32
          %dma_start3A_46 = tpu.memref_slice %arg5[%dma_start3A_44, %dma_start3A_45] : memref<4096x32xf32, #tpu.memory_space<vmem_shared>> -> memref<4096x32xf32, #tpu.memory_space<vmem_shared>>
          tpu.enqueue_indirect_dma source(%dma_start3A_40 : memref<128x32xf32, #tpu.memory_space<vmem>>) target(%dma_start3A_46 : memref<4096x32xf32, #tpu.memory_space<vmem_shared>>) offsets(%dma_start3A_43 : memref<128xi32, #tpu.memory_space<vmem>>) semaphore(%run_scoped3A_38 : memref<!tpu.dma_semaphore, #tpu.memory_space<semaphore_mem>>) {add = true}
          %dma_wait3A = arith.constant 256 : i32
          %dma_wait3A_47 = arith.constant 0 : i32
          %dma_wait3A_48 = tpu.memref_slice %arg7[%dma_wait3A, %dma_wait3A_47] : memref<1024x32xf32, #tpu.memory_space<vmem>> -> memref<128x32xf32, #tpu.memory_space<vmem>>
          %dma_wait3A_49 = arith.constant 0 : i32
          %dma_wait3A_50 = tpu.memref_slice %arg8[%run_scoped3A_32, %dma_wait3A_49] : memref<8x128xi32, #tpu.memory_space<vmem>> -> memref<1x128xi32, #tpu.memory_space<vmem>>
          %dma_wait3A_51 = tpu.memref_squeeze %dma_wait3A_50 : memref<1x128xi32, #tpu.memory_space<vmem>> -> memref<128xi32, #tpu.memory_space<vmem>>
          %dma_wait3A_52 = arith.constant 0 : i32
          %dma_wait3A_53 = arith.constant 0 : i32
          %dma_wait3A_54 = tpu.memref_slice %arg5[%dma_wait3A_52, %dma_wait3A_53] : memref<4096x32xf32, #tpu.memory_space<vmem_shared>> -> memref<4096x32xf32, #tpu.memory_space<vmem_shared>>
          tpu.wait_indirect_dma semaphore(%run_scoped3A_38 : memref<!tpu.dma_semaphore, #tpu.memory_space<semaphore_mem>>) src(%dma_wait3A_48 : memref<128x32xf32, #tpu.memory_space<vmem>>) dst(%dma_wait3A_54 : memref<4096x32xf32, #tpu.memory_space<vmem_shared>>)
          tpu.yield
        }) : () -> ()
        %run_scoped3A_33 = arith.constant 3 : i32
        "tpu.region"() ({
          %run_scoped3A_38 = tpu.sem_alloc : memref<!tpu.dma_semaphore, #tpu.memory_space<semaphore_mem>>
          %dma_start3A = arith.constant 384 : i32
          %dma_start3A_39 = arith.constant 0 : i32
          %dma_start3A_40 = tpu.memref_slice %arg7[%dma_start3A, %dma_start3A_39] : memref<1024x32xf32, #tpu.memory_space<vmem>> -> memref<128x32xf32, #tpu.memory_space<vmem>>
          %dma_start3A_41 = arith.constant 0 : i32
          %dma_start3A_42 = tpu.memref_slice %arg8[%run_scoped3A_33, %dma_start3A_41] : memref<8x128xi32, #tpu.memory_space<vmem>> -> memref<1x128xi32, #tpu.memory_space<vmem>>
          %dma_start3A_43 = tpu.memref_squeeze %dma_start3A_42 : memref<1x128xi32, #tpu.memory_space<vmem>> -> memref<128xi32, #tpu.memory_space<vmem>>
          %dma_start3A_44 = arith.constant 0 : i32
          %dma_start3A_45 = arith.constant 0 : i32
          %dma_start3A_46 = tpu.memref_slice %arg5[%dma_start3A_44, %dma_start3A_45] : memref<4096x32xf32, #tpu.memory_space<vmem_shared>> -> memref<4096x32xf32, #tpu.memory_space<vmem_shared>>
          tpu.enqueue_indirect_dma source(%dma_start3A_40 : memref<128x32xf32, #tpu.memory_space<vmem>>) target(%dma_start3A_46 : memref<4096x32xf32, #tpu.memory_space<vmem_shared>>) offsets(%dma_start3A_43 : memref<128xi32, #tpu.memory_space<vmem>>) semaphore(%run_scoped3A_38 : memref<!tpu.dma_semaphore, #tpu.memory_space<semaphore_mem>>) {add = true}
          %dma_wait3A = arith.constant 384 : i32
          %dma_wait3A_47 = arith.constant 0 : i32
          %dma_wait3A_48 = tpu.memref_slice %arg7[%dma_wait3A, %dma_wait3A_47] : memref<1024x32xf32, #tpu.memory_space<vmem>> -> memref<128x32xf32, #tpu.memory_space<vmem>>
          %dma_wait3A_49 = arith.constant 0 : i32
          %dma_wait3A_50 = tpu.memref_slice %arg8[%run_scoped3A_33, %dma_wait3A_49] : memref<8x128xi32, #tpu.memory_space<vmem>> -> memref<1x128xi32, #tpu.memory_space<vmem>>
          %dma_wait3A_51 = tpu.memref_squeeze %dma_wait3A_50 : memref<1x128xi32, #tpu.memory_space<vmem>> -> memref<128xi32, #tpu.memory_space<vmem>>
          %dma_wait3A_52 = arith.constant 0 : i32
          %dma_wait3A_53 = arith.constant 0 : i32
          %dma_wait3A_54 = tpu.memref_slice %arg5[%dma_wait3A_52, %dma_wait3A_53] : memref<4096x32xf32, #tpu.memory_space<vmem_shared>> -> memref<4096x32xf32, #tpu.memory_space<vmem_shared>>
          tpu.wait_indirect_dma semaphore(%run_scoped3A_38 : memref<!tpu.dma_semaphore, #tpu.memory_space<semaphore_mem>>) src(%dma_wait3A_48 : memref<128x32xf32, #tpu.memory_space<vmem>>) dst(%dma_wait3A_54 : memref<4096x32xf32, #tpu.memory_space<vmem_shared>>)
          tpu.yield
        }) : () -> ()
        %run_scoped3A_34 = arith.constant 4 : i32
        "tpu.region"() ({
          %run_scoped3A_38 = tpu.sem_alloc : memref<!tpu.dma_semaphore, #tpu.memory_space<semaphore_mem>>
          %dma_start3A = arith.constant 512 : i32
          %dma_start3A_39 = arith.constant 0 : i32
          %dma_start3A_40 = tpu.memref_slice %arg7[%dma_start3A, %dma_start3A_39] : memref<1024x32xf32, #tpu.memory_space<vmem>> -> memref<128x32xf32, #tpu.memory_space<vmem>>
          %dma_start3A_41 = arith.constant 0 : i32
          %dma_start3A_42 = tpu.memref_slice %arg8[%run_scoped3A_34, %dma_start3A_41] : memref<8x128xi32, #tpu.memory_space<vmem>> -> memref<1x128xi32, #tpu.memory_space<vmem>>
          %dma_start3A_43 = tpu.memref_squeeze %dma_start3A_42 : memref<1x128xi32, #tpu.memory_space<vmem>> -> memref<128xi32, #tpu.memory_space<vmem>>
          %dma_start3A_44 = arith.constant 0 : i32
          %dma_start3A_45 = arith.constant 0 : i32
          %dma_start3A_46 = tpu.memref_slice %arg5[%dma_start3A_44, %dma_start3A_45] : memref<4096x32xf32, #tpu.memory_space<vmem_shared>> -> memref<4096x32xf32, #tpu.memory_space<vmem_shared>>
          tpu.enqueue_indirect_dma source(%dma_start3A_40 : memref<128x32xf32, #tpu.memory_space<vmem>>) target(%dma_start3A_46 : memref<4096x32xf32, #tpu.memory_space<vmem_shared>>) offsets(%dma_start3A_43 : memref<128xi32, #tpu.memory_space<vmem>>) semaphore(%run_scoped3A_38 : memref<!tpu.dma_semaphore, #tpu.memory_space<semaphore_mem>>) {add = true}
          %dma_wait3A = arith.constant 512 : i32
          %dma_wait3A_47 = arith.constant 0 : i32
          %dma_wait3A_48 = tpu.memref_slice %arg7[%dma_wait3A, %dma_wait3A_47] : memref<1024x32xf32, #tpu.memory_space<vmem>> -> memref<128x32xf32, #tpu.memory_space<vmem>>
          %dma_wait3A_49 = arith.constant 0 : i32
          %dma_wait3A_50 = tpu.memref_slice %arg8[%run_scoped3A_34, %dma_wait3A_49] : memref<8x128xi32, #tpu.memory_space<vmem>> -> memref<1x128xi32, #tpu.memory_space<vmem>>
          %dma_wait3A_51 = tpu.memref_squeeze %dma_wait3A_50 : memref<1x128xi32, #tpu.memory_space<vmem>> -> memref<128xi32, #tpu.memory_space<vmem>>
          %dma_wait3A_52 = arith.constant 0 : i32
          %dma_wait3A_53 = arith.constant 0 : i32
          %dma_wait3A_54 = tpu.memref_slice %arg5[%dma_wait3A_52, %dma_wait3A_53] : memref<4096x32xf32, #tpu.memory_space<vmem_shared>> -> memref<4096x32xf32, #tpu.memory_space<vmem_shared>>
          tpu.wait_indirect_dma semaphore(%run_scoped3A_38 : memref<!tpu.dma_semaphore, #tpu.memory_space<semaphore_mem>>) src(%dma_wait3A_48 : memref<128x32xf32, #tpu.memory_space<vmem>>) dst(%dma_wait3A_54 : memref<4096x32xf32, #tpu.memory_space<vmem_shared>>)
          tpu.yield
        }) : () -> ()
        %run_scoped3A_35 = arith.constant 5 : i32
        "tpu.region"() ({
          %run_scoped3A_38 = tpu.sem_alloc : memref<!tpu.dma_semaphore, #tpu.memory_space<semaphore_mem>>
          %dma_start3A = arith.constant 640 : i32
          %dma_start3A_39 = arith.constant 0 : i32
          %dma_start3A_40 = tpu.memref_slice %arg7[%dma_start3A, %dma_start3A_39] : memref<1024x32xf32, #tpu.memory_space<vmem>> -> memref<128x32xf32, #tpu.memory_space<vmem>>
          %dma_start3A_41 = arith.constant 0 : i32
          %dma_start3A_42 = tpu.memref_slice %arg8[%run_scoped3A_35, %dma_start3A_41] : memref<8x128xi32, #tpu.memory_space<vmem>> -> memref<1x128xi32, #tpu.memory_space<vmem>>
          %dma_start3A_43 = tpu.memref_squeeze %dma_start3A_42 : memref<1x128xi32, #tpu.memory_space<vmem>> -> memref<128xi32, #tpu.memory_space<vmem>>
          %dma_start3A_44 = arith.constant 0 : i32
          %dma_start3A_45 = arith.constant 0 : i32
          %dma_start3A_46 = tpu.memref_slice %arg5[%dma_start3A_44, %dma_start3A_45] : memref<4096x32xf32, #tpu.memory_space<vmem_shared>> -> memref<4096x32xf32, #tpu.memory_space<vmem_shared>>
          tpu.enqueue_indirect_dma source(%dma_start3A_40 : memref<128x32xf32, #tpu.memory_space<vmem>>) target(%dma_start3A_46 : memref<4096x32xf32, #tpu.memory_space<vmem_shared>>) offsets(%dma_start3A_43 : memref<128xi32, #tpu.memory_space<vmem>>) semaphore(%run_scoped3A_38 : memref<!tpu.dma_semaphore, #tpu.memory_space<semaphore_mem>>) {add = true}
          %dma_wait3A = arith.constant 640 : i32
          %dma_wait3A_47 = arith.constant 0 : i32
          %dma_wait3A_48 = tpu.memref_slice %arg7[%dma_wait3A, %dma_wait3A_47] : memref<1024x32xf32, #tpu.memory_space<vmem>> -> memref<128x32xf32, #tpu.memory_space<vmem>>
          %dma_wait3A_49 = arith.constant 0 : i32
          %dma_wait3A_50 = tpu.memref_slice %arg8[%run_scoped3A_35, %dma_wait3A_49] : memref<8x128xi32, #tpu.memory_space<vmem>> -> memref<1x128xi32, #tpu.memory_space<vmem>>
          %dma_wait3A_51 = tpu.memref_squeeze %dma_wait3A_50 : memref<1x128xi32, #tpu.memory_space<vmem>> -> memref<128xi32, #tpu.memory_space<vmem>>
          %dma_wait3A_52 = arith.constant 0 : i32
          %dma_wait3A_53 = arith.constant 0 : i32
          %dma_wait3A_54 = tpu.memref_slice %arg5[%dma_wait3A_52, %dma_wait3A_53] : memref<4096x32xf32, #tpu.memory_space<vmem_shared>> -> memref<4096x32xf32, #tpu.memory_space<vmem_shared>>
          tpu.wait_indirect_dma semaphore(%run_scoped3A_38 : memref<!tpu.dma_semaphore, #tpu.memory_space<semaphore_mem>>) src(%dma_wait3A_48 : memref<128x32xf32, #tpu.memory_space<vmem>>) dst(%dma_wait3A_54 : memref<4096x32xf32, #tpu.memory_space<vmem_shared>>)
          tpu.yield
        }) : () -> ()
        %run_scoped3A_36 = arith.constant 6 : i32
        "tpu.region"() ({
          %run_scoped3A_38 = tpu.sem_alloc : memref<!tpu.dma_semaphore, #tpu.memory_space<semaphore_mem>>
          %dma_start3A = arith.constant 768 : i32
          %dma_start3A_39 = arith.constant 0 : i32
          %dma_start3A_40 = tpu.memref_slice %arg7[%dma_start3A, %dma_start3A_39] : memref<1024x32xf32, #tpu.memory_space<vmem>> -> memref<128x32xf32, #tpu.memory_space<vmem>>
          %dma_start3A_41 = arith.constant 0 : i32
          %dma_start3A_42 = tpu.memref_slice %arg8[%run_scoped3A_36, %dma_start3A_41] : memref<8x128xi32, #tpu.memory_space<vmem>> -> memref<1x128xi32, #tpu.memory_space<vmem>>
          %dma_start3A_43 = tpu.memref_squeeze %dma_start3A_42 : memref<1x128xi32, #tpu.memory_space<vmem>> -> memref<128xi32, #tpu.memory_space<vmem>>
          %dma_start3A_44 = arith.constant 0 : i32
          %dma_start3A_45 = arith.constant 0 : i32
          %dma_start3A_46 = tpu.memref_slice %arg5[%dma_start3A_44, %dma_start3A_45] : memref<4096x32xf32, #tpu.memory_space<vmem_shared>> -> memref<4096x32xf32, #tpu.memory_space<vmem_shared>>
          tpu.enqueue_indirect_dma source(%dma_start3A_40 : memref<128x32xf32, #tpu.memory_space<vmem>>) target(%dma_start3A_46 : memref<4096x32xf32, #tpu.memory_space<vmem_shared>>) offsets(%dma_start3A_43 : memref<128xi32, #tpu.memory_space<vmem>>) semaphore(%run_scoped3A_38 : memref<!tpu.dma_semaphore, #tpu.memory_space<semaphore_mem>>) {add = true}
          %dma_wait3A = arith.constant 768 : i32
          %dma_wait3A_47 = arith.constant 0 : i32
          %dma_wait3A_48 = tpu.memref_slice %arg7[%dma_wait3A, %dma_wait3A_47] : memref<1024x32xf32, #tpu.memory_space<vmem>> -> memref<128x32xf32, #tpu.memory_space<vmem>>
          %dma_wait3A_49 = arith.constant 0 : i32
          %dma_wait3A_50 = tpu.memref_slice %arg8[%run_scoped3A_36, %dma_wait3A_49] : memref<8x128xi32, #tpu.memory_space<vmem>> -> memref<1x128xi32, #tpu.memory_space<vmem>>
          %dma_wait3A_51 = tpu.memref_squeeze %dma_wait3A_50 : memref<1x128xi32, #tpu.memory_space<vmem>> -> memref<128xi32, #tpu.memory_space<vmem>>
          %dma_wait3A_52 = arith.constant 0 : i32
          %dma_wait3A_53 = arith.constant 0 : i32
          %dma_wait3A_54 = tpu.memref_slice %arg5[%dma_wait3A_52, %dma_wait3A_53] : memref<4096x32xf32, #tpu.memory_space<vmem_shared>> -> memref<4096x32xf32, #tpu.memory_space<vmem_shared>>
          tpu.wait_indirect_dma semaphore(%run_scoped3A_38 : memref<!tpu.dma_semaphore, #tpu.memory_space<semaphore_mem>>) src(%dma_wait3A_48 : memref<128x32xf32, #tpu.memory_space<vmem>>) dst(%dma_wait3A_54 : memref<4096x32xf32, #tpu.memory_space<vmem_shared>>)
          tpu.yield
        }) : () -> ()
        %run_scoped3A_37 = arith.constant 7 : i32
        "tpu.region"() ({
          %run_scoped3A_38 = tpu.sem_alloc : memref<!tpu.dma_semaphore, #tpu.memory_space<semaphore_mem>>
          %dma_start3A = arith.constant 896 : i32
          %dma_start3A_39 = arith.constant 0 : i32
          %dma_start3A_40 = tpu.memref_slice %arg7[%dma_start3A, %dma_start3A_39] : memref<1024x32xf32, #tpu.memory_space<vmem>> -> memref<128x32xf32, #tpu.memory_space<vmem>>
          %dma_start3A_41 = arith.constant 0 : i32
          %dma_start3A_42 = tpu.memref_slice %arg8[%run_scoped3A_37, %dma_start3A_41] : memref<8x128xi32, #tpu.memory_space<vmem>> -> memref<1x128xi32, #tpu.memory_space<vmem>>
          %dma_start3A_43 = tpu.memref_squeeze %dma_start3A_42 : memref<1x128xi32, #tpu.memory_space<vmem>> -> memref<128xi32, #tpu.memory_space<vmem>>
          %dma_start3A_44 = arith.constant 0 : i32
          %dma_start3A_45 = arith.constant 0 : i32
          %dma_start3A_46 = tpu.memref_slice %arg5[%dma_start3A_44, %dma_start3A_45] : memref<4096x32xf32, #tpu.memory_space<vmem_shared>> -> memref<4096x32xf32, #tpu.memory_space<vmem_shared>>
          tpu.enqueue_indirect_dma source(%dma_start3A_40 : memref<128x32xf32, #tpu.memory_space<vmem>>) target(%dma_start3A_46 : memref<4096x32xf32, #tpu.memory_space<vmem_shared>>) offsets(%dma_start3A_43 : memref<128xi32, #tpu.memory_space<vmem>>) semaphore(%run_scoped3A_38 : memref<!tpu.dma_semaphore, #tpu.memory_space<semaphore_mem>>) {add = true}
          %dma_wait3A = arith.constant 896 : i32
          %dma_wait3A_47 = arith.constant 0 : i32
          %dma_wait3A_48 = tpu.memref_slice %arg7[%dma_wait3A, %dma_wait3A_47] : memref<1024x32xf32, #tpu.memory_space<vmem>> -> memref<128x32xf32, #tpu.memory_space<vmem>>
          %dma_wait3A_49 = arith.constant 0 : i32
          %dma_wait3A_50 = tpu.memref_slice %arg8[%run_scoped3A_37, %dma_wait3A_49] : memref<8x128xi32, #tpu.memory_space<vmem>> -> memref<1x128xi32, #tpu.memory_space<vmem>>
          %dma_wait3A_51 = tpu.memref_squeeze %dma_wait3A_50 : memref<1x128xi32, #tpu.memory_space<vmem>> -> memref<128xi32, #tpu.memory_space<vmem>>
          %dma_wait3A_52 = arith.constant 0 : i32
          %dma_wait3A_53 = arith.constant 0 : i32
          %dma_wait3A_54 = tpu.memref_slice %arg5[%dma_wait3A_52, %dma_wait3A_53] : memref<4096x32xf32, #tpu.memory_space<vmem_shared>> -> memref<4096x32xf32, #tpu.memory_space<vmem_shared>>
          tpu.wait_indirect_dma semaphore(%run_scoped3A_38 : memref<!tpu.dma_semaphore, #tpu.memory_space<semaphore_mem>>) src(%dma_wait3A_48 : memref<128x32xf32, #tpu.memory_space<vmem>>) dst(%dma_wait3A_54 : memref<4096x32xf32, #tpu.memory_space<vmem_shared>>)
          tpu.yield
        }) : () -> ()
      }
      %scan3A_13 = arith.constant 16 : i32
      %barrier3A_14 = arith.constant 0 : index
      tpu.barrier barrier_id(%barrier3A_14)
      %mul3A_15 = arith.constant 256 : i32
      %mul3A_16 = arith.muli %arg1, %mul3A_15 : i32
      %mul3A_17 = arith.constant 256 : i32
      %mul3A_18 = arith.muli %arg1, %mul3A_17 : i32
      "tpu.region"() ({
        %run_scoped3A = tpu.sem_alloc : memref<!tpu.dma_semaphore, #tpu.memory_space<semaphore_mem>>
        %dma_start3A = arith.constant 0 : i32
        %dma_start3A_19 = tpu.memref_slice %arg4[%mul3A_18, %dma_start3A] : memref<4096x32xf32, #tpu.memory_space<hbm>> -> memref<256x32xf32, #tpu.memory_space<hbm>>
        %dma_start3A_20 = arith.constant 0 : i32
        %dma_start3A_21 = tpu.memref_slice %arg5[%mul3A_16, %dma_start3A_20] : memref<4096x32xf32, #tpu.memory_space<vmem_shared>> -> memref<256x32xf32, #tpu.memory_space<vmem_shared>>
        tpu.enqueue_dma source(%dma_start3A_21 : memref<256x32xf32, #tpu.memory_space<vmem_shared>>) target(%dma_start3A_19 : memref<256x32xf32, #tpu.memory_space<hbm>>) target_semaphore(%run_scoped3A : memref<!tpu.dma_semaphore, #tpu.memory_space<semaphore_mem>>)
        %dma_wait3A = arith.constant 0 : i32
        %dma_wait3A_22 = tpu.memref_slice %arg4[%mul3A_18, %dma_wait3A] : memref<4096x32xf32, #tpu.memory_space<hbm>> -> memref<256x32xf32, #tpu.memory_space<hbm>>
        %dma_wait3A_23 = arith.constant 0 : i32
        %dma_wait3A_24 = tpu.memref_slice %arg5[%mul3A_16, %dma_wait3A_23] : memref<4096x32xf32, #tpu.memory_space<vmem_shared>> -> memref<256x32xf32, #tpu.memory_space<vmem_shared>>
        tpu.wait_dma2 semaphore(%run_scoped3A : memref<!tpu.dma_semaphore, #tpu.memory_space<semaphore_mem>>) src(%dma_wait3A_24 : memref<256x32xf32, #tpu.memory_space<vmem_shared>>) dst(%dma_wait3A_22 : memref<256x32xf32, #tpu.memory_space<hbm>>)
        tpu.yield
      }) : () -> ()
    } else {
    }
    return
  }
}

module attributes {stable_mosaic.version = 14 : i64} {
  func.func @_scan_body(%arg0: i32, %arg1: memref<8192x32xf32, #tpu.memory_space<vmem>>, %arg2: memref<1x1x8192xi32, #tpu.memory_space<vmem>>, %arg3: memref<8192x32xf32, #tpu.memory_space<vmem>>, %arg4: memref<1x32xf32, #tpu.memory_space<vmem>>, %arg5: memref<1xi32, #tpu.memory_space<smem>>) attributes {dimension_semantics = [#tpu.dimension_semantics<arbitrary>], iteration_bounds = array<i64: 32>, scalar_prefetch = 0 : i64, scratch_operands = 2 : i64, tpu.core_type = #tpu.core_type<tc>, window_params = [{transform_indices = @transform_0, window_bounds = array<i64: 8192, 32>}, {transform_indices = @transform_1, window_bounds = array<i64: 1, 1, 8192>}, {transform_indices = @transform_2, window_bounds = array<i64: 8192, 32>}]} {
    %eq3A = arith.constant 0 : i32
    %eq3A_0 = arith.cmpi eq, %arg0, %eq3A : i32
    %convert_element_type3A = arith.extui %eq3A_0 : i1 to i32
    %cond3A = arith.constant 0 : i32
    %cond3A_1 = arith.cmpi ne, %convert_element_type3A, %cond3A : i32
    scf.if %cond3A_1 {
      %broadcast_in_dim3A = arith.constant 0.000000e+00 : f32
      %broadcast_in_dim3A_1318 = vector.broadcast %broadcast_in_dim3A : f32 to vector<1x32xf32>
      %swap3A_1319 = arith.constant 0 : index
      %swap3A_1320 = arith.constant 0 : index
      %swap3A_1321 = vector.load %arg4[%swap3A_1319, %swap3A_1320] : memref<1x32xf32, #tpu.memory_space<vmem>>, vector<1x32xf32>
      tpu.vector_store %arg4[%swap3A_1319, %swap3A_1320], %broadcast_in_dim3A_1318 {strides = array<i32>} : memref<1x32xf32, #tpu.memory_space<vmem>>, vector<1x32xf32>,
      %swap3A_1322 = arith.constant -1 : i32
      %swap3A_1323 = arith.constant 0 : index
      %swap3A_1324 = memref.load %arg5[%swap3A_1323] : memref<1xi32, #tpu.memory_space<smem>>
      memref.store %swap3A_1322, %arg5[%swap3A_1323] : memref<1xi32, #tpu.memory_space<smem>>
    } else {
    }
    %get3A = arith.constant 0 : index
    %get3A_2 = arith.constant 0 : index
    %get3A_3 = arith.constant 0 : index
    %get3A_4 = vector.load %arg2[%get3A, %get3A_2, %get3A_3] : memref<1x1x8192xi32, #tpu.memory_space<vmem>>, vector<1x1x8192xi32>
    %get3A_5 = vector.shape_cast %get3A_4 : vector<1x1x8192xi32> to vector<8192xi32>
    %get3A_6 = arith.constant 0 : index
    %get3A_7 = memref.load %arg5[%get3A_6] : memref<1xi32, #tpu.memory_space<smem>>
    %get3A_8 = arith.constant 0 : index
    %get3A_9 = arith.constant 0 : index
    %get3A_10 = vector.load %arg4[%get3A_8, %get3A_9] : memref<1x32xf32, #tpu.memory_space<vmem>>, vector<1x32xf32>
    %slice3A = vector.extract_strided_slice %get3A_5 {offsets = [0], sizes = [256], strides = [1]} : vector<8192xi32> to vector<256xi32>
    %get3A_11 = arith.constant 0 : index
    %get3A_12 = arith.constant 0 : index
    %get3A_13 = vector.load %arg1[%get3A_11, %get3A_12] : memref<8192x32xf32, #tpu.memory_space<vmem>>, vector<256x32xf32>
    %iota3A = tpu.iota {dimensions = array<i32: 0>} : vector<256x1xi32>
    %iota3A_14 = tpu.iota {dimensions = array<i32: 1>} : vector<1x256xi32>
    %reshape3A = vector.shape_cast %slice3A : vector<256xi32> to vector<256x1xi32>
    %mul3A = arith.constant 256 : i32
    %mul3A_15 = vector.broadcast %mul3A : i32 to vector<256x1xi32>
    %mul3A_16 = arith.muli %reshape3A, %mul3A_15 : vector<256x1xi32>
    %add3A = arith.addi %mul3A_16, %iota3A : vector<256x1xi32>
    %reshape3A_17 = vector.shape_cast %slice3A : vector<256xi32> to vector<1x256xi32>
    %mul3A_18 = arith.constant 256 : i32
    %mul3A_19 = vector.broadcast %mul3A_18 : i32 to vector<1x256xi32>
    %mul3A_20 = arith.muli %reshape3A_17, %mul3A_19 : vector<1x256xi32>
    %add3A_21 = arith.addi %mul3A_20, %iota3A_14 : vector<1x256xi32>
    %sub3A = vector.broadcast %add3A : vector<256x1xi32> to vector<256x256xi32>
    %sub3A_22 = vector.broadcast %add3A_21 : vector<1x256xi32> to vector<256x256xi32>
    %sub3A_23 = arith.subi %sub3A, %sub3A_22 : vector<256x256xi32>
    %lt3A = arith.constant 256 : i32
    %lt3A_24 = vector.broadcast %lt3A : i32 to vector<256x256xi32>
    %lt3A_25 = arith.cmpi ult, %sub3A_23, %lt3A_24 : vector<256x256xi32>
    %convert_element_type3A_26 = arith.extui %lt3A_25 : vector<256x256xi1> to vector<256x256xi32>
    %convert_element_type3A_27 = arith.sitofp %convert_element_type3A_26 : vector<256x256xi32> to vector<256x256xf32>
    %dot_general3A = arith.constant dense<0.000000e+00> : vector<256x32xf32>
    %dot_general3A_28 = tpu.matmul %convert_element_type3A_27, %get3A_13, %dot_general3A {dimension_numbers = #tpu.dot_dimension_numbers<[1], [0], [0], [1], [0, 0, 1, 1], [], []>, transpose_lhs_hint = false} : vector<256x256xf32>, vector<256x32xf32>, vector<256x32xf32> -> vector<256x32xf32>
    %eq3A_29 = vector.broadcast %get3A_7 : i32 to vector<256xi32>
    %eq3A_30 = arith.cmpi eq, %slice3A, %eq3A_29 : vector<256xi32>
    %convert_element_type3A_31 = arith.extui %eq3A_30 : vector<256xi1> to vector<256xi32>
    %convert_element_type3A_32 = arith.sitofp %convert_element_type3A_31 : vector<256xi32> to vector<256xf32>
    %reshape3A_33 = vector.shape_cast %convert_element_type3A_32 : vector<256xf32> to vector<256x1xf32>
    %mul3A_34 = vector.broadcast %reshape3A_33 : vector<256x1xf32> to vector<256x32xf32>
    %mul3A_35 = vector.broadcast %get3A_10 : vector<1x32xf32> to vector<256x32xf32>
    %mul3A_36 = arith.mulf %mul3A_34, %mul3A_35 : vector<256x32xf32>
    %add3A_37 = arith.addf %dot_general3A_28, %mul3A_36 : vector<256x32xf32>
    %swap3A = arith.constant 0 : index
    %swap3A_38 = arith.constant 0 : index
    %swap3A_39 = vector.load %arg3[%swap3A, %swap3A_38] : memref<8192x32xf32, #tpu.memory_space<vmem>>, vector<256x32xf32>
    tpu.vector_store %arg3[%swap3A, %swap3A_38], %add3A_37 {strides = array<i32>} : memref<8192x32xf32, #tpu.memory_space<vmem>>, vector<256x32xf32>,
    %slice3A_40 = vector.extract_strided_slice %add3A_37 {offsets = [255, 0], sizes = [1, 32], strides = [1, 1]} : vector<256x32xf32> to vector<1x32xf32>
    %slice3A_41 = vector.extract_strided_slice %slice3A {offsets = [255], sizes = [1], strides = [1]} : vector<256xi32> to vector<1xi32>
    %squeeze3A = vector.extract %slice3A_41[0] : i32 from vector<1xi32>
    %slice3A_42 = vector.extract_strided_slice %get3A_5 {offsets = [256], sizes = [256], strides = [1]} : vector<8192xi32> to vector<256xi32>
    %get3A_43 = arith.constant 256 : index
    %get3A_44 = arith.constant 0 : index
    %get3A_45 = vector.load %arg1[%get3A_43, %get3A_44] : memref<8192x32xf32, #tpu.memory_space<vmem>>, vector<256x32xf32>
    %iota3A_46 = tpu.iota {dimensions = array<i32: 0>} : vector<256x1xi32>
    %iota3A_47 = tpu.iota {dimensions = array<i32: 1>} : vector<1x256xi32>
    %reshape3A_48 = vector.shape_cast %slice3A_42 : vector<256xi32> to vector<256x1xi32>
    %mul3A_49 = arith.constant 256 : i32
    %mul3A_50 = vector.broadcast %mul3A_49 : i32 to vector<256x1xi32>
    %mul3A_51 = arith.muli %reshape3A_48, %mul3A_50 : vector<256x1xi32>
    %add3A_52 = arith.addi %mul3A_51, %iota3A_46 : vector<256x1xi32>
    %reshape3A_53 = vector.shape_cast %slice3A_42 : vector<256xi32> to vector<1x256xi32>
    %mul3A_54 = arith.constant 256 : i32
    %mul3A_55 = vector.broadcast %mul3A_54 : i32 to vector<1x256xi32>
    %mul3A_56 = arith.muli %reshape3A_53, %mul3A_55 : vector<1x256xi32>
    %add3A_57 = arith.addi %mul3A_56, %iota3A_47 : vector<1x256xi32>
    %sub3A_58 = vector.broadcast %add3A_52 : vector<256x1xi32> to vector<256x256xi32>
    %sub3A_59 = vector.broadcast %add3A_57 : vector<1x256xi32> to vector<256x256xi32>
    %sub3A_60 = arith.subi %sub3A_58, %sub3A_59 : vector<256x256xi32>
    %lt3A_61 = arith.constant 256 : i32
    %lt3A_62 = vector.broadcast %lt3A_61 : i32 to vector<256x256xi32>
    %lt3A_63 = arith.cmpi ult, %sub3A_60, %lt3A_62 : vector<256x256xi32>
    %convert_element_type3A_64 = arith.extui %lt3A_63 : vector<256x256xi1> to vector<256x256xi32>
    %convert_element_type3A_65 = arith.sitofp %convert_element_type3A_64 : vector<256x256xi32> to vector<256x256xf32>
    %dot_general3A_66 = arith.constant dense<0.000000e+00> : vector<256x32xf32>
    %dot_general3A_67 = tpu.matmul %convert_element_type3A_65, %get3A_45, %dot_general3A_66 {dimension_numbers = #tpu.dot_dimension_numbers<[1], [0], [0], [1], [0, 0, 1, 1], [], []>, transpose_lhs_hint = false} : vector<256x256xf32>, vector<256x32xf32>, vector<256x32xf32> -> vector<256x32xf32>
    %eq3A_68 = vector.broadcast %squeeze3A : i32 to vector<256xi32>
    %eq3A_69 = arith.cmpi eq, %slice3A_42, %eq3A_68 : vector<256xi32>
    %convert_element_type3A_70 = arith.extui %eq3A_69 : vector<256xi1> to vector<256xi32>
    %convert_element_type3A_71 = arith.sitofp %convert_element_type3A_70 : vector<256xi32> to vector<256xf32>
    %reshape3A_72 = vector.shape_cast %convert_element_type3A_71 : vector<256xf32> to vector<256x1xf32>
    %mul3A_73 = vector.broadcast %reshape3A_72 : vector<256x1xf32> to vector<256x32xf32>
    %mul3A_74 = vector.broadcast %slice3A_40 : vector<1x32xf32> to vector<256x32xf32>
    %mul3A_75 = arith.mulf %mul3A_73, %mul3A_74 : vector<256x32xf32>
    %add3A_76 = arith.addf %dot_general3A_67, %mul3A_75 : vector<256x32xf32>
    %swap3A_77 = arith.constant 256 : index
    %swap3A_78 = arith.constant 0 : index
    %swap3A_79 = vector.load %arg3[%swap3A_77, %swap3A_78] : memref<8192x32xf32, #tpu.memory_space<vmem>>, vector<256x32xf32>
    tpu.vector_store %arg3[%swap3A_77, %swap3A_78], %add3A_76 {strides = array<i32>} : memref<8192x32xf32, #tpu.memory_space<vmem>>, vector<256x32xf32>,
    %slice3A_80 = vector.extract_strided_slice %add3A_76 {offsets = [255, 0], sizes = [1, 32], strides = [1, 1]} : vector<256x32xf32> to vector<1x32xf32>
    %slice3A_81 = vector.extract_strided_slice %slice3A_42 {offsets = [255], sizes = [1], strides = [1]} : vector<256xi32> to vector<1xi32>
    %squeeze3A_82 = vector.extract %slice3A_81[0] : i32 from vector<1xi32>
    %slice3A_83 = vector.extract_strided_slice %get3A_5 {offsets = [512], sizes = [256], strides = [1]} : vector<8192xi32> to vector<256xi32>
    %get3A_84 = arith.constant 512 : index
    %get3A_85 = arith.constant 0 : index
    %get3A_86 = vector.load %arg1[%get3A_84, %get3A_85] : memref<8192x32xf32, #tpu.memory_space<vmem>>, vector<256x32xf32>
    %iota3A_87 = tpu.iota {dimensions = array<i32: 0>} : vector<256x1xi32>
    %iota3A_88 = tpu.iota {dimensions = array<i32: 1>} : vector<1x256xi32>
    %reshape3A_89 = vector.shape_cast %slice3A_83 : vector<256xi32> to vector<256x1xi32>
    %mul3A_90 = arith.constant 256 : i32
    %mul3A_91 = vector.broadcast %mul3A_90 : i32 to vector<256x1xi32>
    %mul3A_92 = arith.muli %reshape3A_89, %mul3A_91 : vector<256x1xi32>
    %add3A_93 = arith.addi %mul3A_92, %iota3A_87 : vector<256x1xi32>
    %reshape3A_94 = vector.shape_cast %slice3A_83 : vector<256xi32> to vector<1x256xi32>
    %mul3A_95 = arith.constant 256 : i32
    %mul3A_96 = vector.broadcast %mul3A_95 : i32 to vector<1x256xi32>
    %mul3A_97 = arith.muli %reshape3A_94, %mul3A_96 : vector<1x256xi32>
    %add3A_98 = arith.addi %mul3A_97, %iota3A_88 : vector<1x256xi32>
    %sub3A_99 = vector.broadcast %add3A_93 : vector<256x1xi32> to vector<256x256xi32>
    %sub3A_100 = vector.broadcast %add3A_98 : vector<1x256xi32> to vector<256x256xi32>
    %sub3A_101 = arith.subi %sub3A_99, %sub3A_100 : vector<256x256xi32>
    %lt3A_102 = arith.constant 256 : i32
    %lt3A_103 = vector.broadcast %lt3A_102 : i32 to vector<256x256xi32>
    %lt3A_104 = arith.cmpi ult, %sub3A_101, %lt3A_103 : vector<256x256xi32>
    %convert_element_type3A_105 = arith.extui %lt3A_104 : vector<256x256xi1> to vector<256x256xi32>
    %convert_element_type3A_106 = arith.sitofp %convert_element_type3A_105 : vector<256x256xi32> to vector<256x256xf32>
    %dot_general3A_107 = arith.constant dense<0.000000e+00> : vector<256x32xf32>
    %dot_general3A_108 = tpu.matmul %convert_element_type3A_106, %get3A_86, %dot_general3A_107 {dimension_numbers = #tpu.dot_dimension_numbers<[1], [0], [0], [1], [0, 0, 1, 1], [], []>, transpose_lhs_hint = false} : vector<256x256xf32>, vector<256x32xf32>, vector<256x32xf32> -> vector<256x32xf32>
    %eq3A_109 = vector.broadcast %squeeze3A_82 : i32 to vector<256xi32>
    %eq3A_110 = arith.cmpi eq, %slice3A_83, %eq3A_109 : vector<256xi32>
    %convert_element_type3A_111 = arith.extui %eq3A_110 : vector<256xi1> to vector<256xi32>
    %convert_element_type3A_112 = arith.sitofp %convert_element_type3A_111 : vector<256xi32> to vector<256xf32>
    %reshape3A_113 = vector.shape_cast %convert_element_type3A_112 : vector<256xf32> to vector<256x1xf32>
    %mul3A_114 = vector.broadcast %reshape3A_113 : vector<256x1xf32> to vector<256x32xf32>
    %mul3A_115 = vector.broadcast %slice3A_80 : vector<1x32xf32> to vector<256x32xf32>
    %mul3A_116 = arith.mulf %mul3A_114, %mul3A_115 : vector<256x32xf32>
    %add3A_117 = arith.addf %dot_general3A_108, %mul3A_116 : vector<256x32xf32>
    %swap3A_118 = arith.constant 512 : index
    %swap3A_119 = arith.constant 0 : index
    %swap3A_120 = vector.load %arg3[%swap3A_118, %swap3A_119] : memref<8192x32xf32, #tpu.memory_space<vmem>>, vector<256x32xf32>
    tpu.vector_store %arg3[%swap3A_118, %swap3A_119], %add3A_117 {strides = array<i32>} : memref<8192x32xf32, #tpu.memory_space<vmem>>, vector<256x32xf32>,
    %slice3A_121 = vector.extract_strided_slice %add3A_117 {offsets = [255, 0], sizes = [1, 32], strides = [1, 1]} : vector<256x32xf32> to vector<1x32xf32>
    %slice3A_122 = vector.extract_strided_slice %slice3A_83 {offsets = [255], sizes = [1], strides = [1]} : vector<256xi32> to vector<1xi32>
    %squeeze3A_123 = vector.extract %slice3A_122[0] : i32 from vector<1xi32>
    %slice3A_124 = vector.extract_strided_slice %get3A_5 {offsets = [768], sizes = [256], strides = [1]} : vector<8192xi32> to vector<256xi32>
    %get3A_125 = arith.constant 768 : index
    %get3A_126 = arith.constant 0 : index
    %get3A_127 = vector.load %arg1[%get3A_125, %get3A_126] : memref<8192x32xf32, #tpu.memory_space<vmem>>, vector<256x32xf32>
    %iota3A_128 = tpu.iota {dimensions = array<i32: 0>} : vector<256x1xi32>
    %iota3A_129 = tpu.iota {dimensions = array<i32: 1>} : vector<1x256xi32>
    %reshape3A_130 = vector.shape_cast %slice3A_124 : vector<256xi32> to vector<256x1xi32>
    %mul3A_131 = arith.constant 256 : i32
    %mul3A_132 = vector.broadcast %mul3A_131 : i32 to vector<256x1xi32>
    %mul3A_133 = arith.muli %reshape3A_130, %mul3A_132 : vector<256x1xi32>
    %add3A_134 = arith.addi %mul3A_133, %iota3A_128 : vector<256x1xi32>
    %reshape3A_135 = vector.shape_cast %slice3A_124 : vector<256xi32> to vector<1x256xi32>
    %mul3A_136 = arith.constant 256 : i32
    %mul3A_137 = vector.broadcast %mul3A_136 : i32 to vector<1x256xi32>
    %mul3A_138 = arith.muli %reshape3A_135, %mul3A_137 : vector<1x256xi32>
    %add3A_139 = arith.addi %mul3A_138, %iota3A_129 : vector<1x256xi32>
    %sub3A_140 = vector.broadcast %add3A_134 : vector<256x1xi32> to vector<256x256xi32>
    %sub3A_141 = vector.broadcast %add3A_139 : vector<1x256xi32> to vector<256x256xi32>
    %sub3A_142 = arith.subi %sub3A_140, %sub3A_141 : vector<256x256xi32>
    %lt3A_143 = arith.constant 256 : i32
    %lt3A_144 = vector.broadcast %lt3A_143 : i32 to vector<256x256xi32>
    %lt3A_145 = arith.cmpi ult, %sub3A_142, %lt3A_144 : vector<256x256xi32>
    %convert_element_type3A_146 = arith.extui %lt3A_145 : vector<256x256xi1> to vector<256x256xi32>
    %convert_element_type3A_147 = arith.sitofp %convert_element_type3A_146 : vector<256x256xi32> to vector<256x256xf32>
    %dot_general3A_148 = arith.constant dense<0.000000e+00> : vector<256x32xf32>
    %dot_general3A_149 = tpu.matmul %convert_element_type3A_147, %get3A_127, %dot_general3A_148 {dimension_numbers = #tpu.dot_dimension_numbers<[1], [0], [0], [1], [0, 0, 1, 1], [], []>, transpose_lhs_hint = false} : vector<256x256xf32>, vector<256x32xf32>, vector<256x32xf32> -> vector<256x32xf32>
    %eq3A_150 = vector.broadcast %squeeze3A_123 : i32 to vector<256xi32>
    %eq3A_151 = arith.cmpi eq, %slice3A_124, %eq3A_150 : vector<256xi32>
    %convert_element_type3A_152 = arith.extui %eq3A_151 : vector<256xi1> to vector<256xi32>
    %convert_element_type3A_153 = arith.sitofp %convert_element_type3A_152 : vector<256xi32> to vector<256xf32>
    %reshape3A_154 = vector.shape_cast %convert_element_type3A_153 : vector<256xf32> to vector<256x1xf32>
    %mul3A_155 = vector.broadcast %reshape3A_154 : vector<256x1xf32> to vector<256x32xf32>
    %mul3A_156 = vector.broadcast %slice3A_121 : vector<1x32xf32> to vector<256x32xf32>
    %mul3A_157 = arith.mulf %mul3A_155, %mul3A_156 : vector<256x32xf32>
    %add3A_158 = arith.addf %dot_general3A_149, %mul3A_157 : vector<256x32xf32>
    %swap3A_159 = arith.constant 768 : index
    %swap3A_160 = arith.constant 0 : index
    %swap3A_161 = vector.load %arg3[%swap3A_159, %swap3A_160] : memref<8192x32xf32, #tpu.memory_space<vmem>>, vector<256x32xf32>
    tpu.vector_store %arg3[%swap3A_159, %swap3A_160], %add3A_158 {strides = array<i32>} : memref<8192x32xf32, #tpu.memory_space<vmem>>, vector<256x32xf32>,
    %slice3A_162 = vector.extract_strided_slice %add3A_158 {offsets = [255, 0], sizes = [1, 32], strides = [1, 1]} : vector<256x32xf32> to vector<1x32xf32>
    %slice3A_163 = vector.extract_strided_slice %slice3A_124 {offsets = [255], sizes = [1], strides = [1]} : vector<256xi32> to vector<1xi32>
    %squeeze3A_164 = vector.extract %slice3A_163[0] : i32 from vector<1xi32>
    %slice3A_165 = vector.extract_strided_slice %get3A_5 {offsets = [1024], sizes = [256], strides = [1]} : vector<8192xi32> to vector<256xi32>
    %get3A_166 = arith.constant 1024 : index
    %get3A_167 = arith.constant 0 : index
    %get3A_168 = vector.load %arg1[%get3A_166, %get3A_167] : memref<8192x32xf32, #tpu.memory_space<vmem>>, vector<256x32xf32>
    %iota3A_169 = tpu.iota {dimensions = array<i32: 0>} : vector<256x1xi32>
    %iota3A_170 = tpu.iota {dimensions = array<i32: 1>} : vector<1x256xi32>
    %reshape3A_171 = vector.shape_cast %slice3A_165 : vector<256xi32> to vector<256x1xi32>
    %mul3A_172 = arith.constant 256 : i32
    %mul3A_173 = vector.broadcast %mul3A_172 : i32 to vector<256x1xi32>
    %mul3A_174 = arith.muli %reshape3A_171, %mul3A_173 : vector<256x1xi32>
    %add3A_175 = arith.addi %mul3A_174, %iota3A_169 : vector<256x1xi32>
    %reshape3A_176 = vector.shape_cast %slice3A_165 : vector<256xi32> to vector<1x256xi32>
    %mul3A_177 = arith.constant 256 : i32
    %mul3A_178 = vector.broadcast %mul3A_177 : i32 to vector<1x256xi32>
    %mul3A_179 = arith.muli %reshape3A_176, %mul3A_178 : vector<1x256xi32>
    %add3A_180 = arith.addi %mul3A_179, %iota3A_170 : vector<1x256xi32>
    %sub3A_181 = vector.broadcast %add3A_175 : vector<256x1xi32> to vector<256x256xi32>
    %sub3A_182 = vector.broadcast %add3A_180 : vector<1x256xi32> to vector<256x256xi32>
    %sub3A_183 = arith.subi %sub3A_181, %sub3A_182 : vector<256x256xi32>
    %lt3A_184 = arith.constant 256 : i32
    %lt3A_185 = vector.broadcast %lt3A_184 : i32 to vector<256x256xi32>
    %lt3A_186 = arith.cmpi ult, %sub3A_183, %lt3A_185 : vector<256x256xi32>
    %convert_element_type3A_187 = arith.extui %lt3A_186 : vector<256x256xi1> to vector<256x256xi32>
    %convert_element_type3A_188 = arith.sitofp %convert_element_type3A_187 : vector<256x256xi32> to vector<256x256xf32>
    %dot_general3A_189 = arith.constant dense<0.000000e+00> : vector<256x32xf32>
    %dot_general3A_190 = tpu.matmul %convert_element_type3A_188, %get3A_168, %dot_general3A_189 {dimension_numbers = #tpu.dot_dimension_numbers<[1], [0], [0], [1], [0, 0, 1, 1], [], []>, transpose_lhs_hint = false} : vector<256x256xf32>, vector<256x32xf32>, vector<256x32xf32> -> vector<256x32xf32>
    %eq3A_191 = vector.broadcast %squeeze3A_164 : i32 to vector<256xi32>
    %eq3A_192 = arith.cmpi eq, %slice3A_165, %eq3A_191 : vector<256xi32>
    %convert_element_type3A_193 = arith.extui %eq3A_192 : vector<256xi1> to vector<256xi32>
    %convert_element_type3A_194 = arith.sitofp %convert_element_type3A_193 : vector<256xi32> to vector<256xf32>
    %reshape3A_195 = vector.shape_cast %convert_element_type3A_194 : vector<256xf32> to vector<256x1xf32>
    %mul3A_196 = vector.broadcast %reshape3A_195 : vector<256x1xf32> to vector<256x32xf32>
    %mul3A_197 = vector.broadcast %slice3A_162 : vector<1x32xf32> to vector<256x32xf32>
    %mul3A_198 = arith.mulf %mul3A_196, %mul3A_197 : vector<256x32xf32>
    %add3A_199 = arith.addf %dot_general3A_190, %mul3A_198 : vector<256x32xf32>
    %swap3A_200 = arith.constant 1024 : index
    %swap3A_201 = arith.constant 0 : index
    %swap3A_202 = vector.load %arg3[%swap3A_200, %swap3A_201] : memref<8192x32xf32, #tpu.memory_space<vmem>>, vector<256x32xf32>
    tpu.vector_store %arg3[%swap3A_200, %swap3A_201], %add3A_199 {strides = array<i32>} : memref<8192x32xf32, #tpu.memory_space<vmem>>, vector<256x32xf32>,
    %slice3A_203 = vector.extract_strided_slice %add3A_199 {offsets = [255, 0], sizes = [1, 32], strides = [1, 1]} : vector<256x32xf32> to vector<1x32xf32>
    %slice3A_204 = vector.extract_strided_slice %slice3A_165 {offsets = [255], sizes = [1], strides = [1]} : vector<256xi32> to vector<1xi32>
    %squeeze3A_205 = vector.extract %slice3A_204[0] : i32 from vector<1xi32>
    %slice3A_206 = vector.extract_strided_slice %get3A_5 {offsets = [1280], sizes = [256], strides = [1]} : vector<8192xi32> to vector<256xi32>
    %get3A_207 = arith.constant 1280 : index
    %get3A_208 = arith.constant 0 : index
    %get3A_209 = vector.load %arg1[%get3A_207, %get3A_208] : memref<8192x32xf32, #tpu.memory_space<vmem>>, vector<256x32xf32>
    %iota3A_210 = tpu.iota {dimensions = array<i32: 0>} : vector<256x1xi32>
    %iota3A_211 = tpu.iota {dimensions = array<i32: 1>} : vector<1x256xi32>
    %reshape3A_212 = vector.shape_cast %slice3A_206 : vector<256xi32> to vector<256x1xi32>
    %mul3A_213 = arith.constant 256 : i32
    %mul3A_214 = vector.broadcast %mul3A_213 : i32 to vector<256x1xi32>
    %mul3A_215 = arith.muli %reshape3A_212, %mul3A_214 : vector<256x1xi32>
    %add3A_216 = arith.addi %mul3A_215, %iota3A_210 : vector<256x1xi32>
    %reshape3A_217 = vector.shape_cast %slice3A_206 : vector<256xi32> to vector<1x256xi32>
    %mul3A_218 = arith.constant 256 : i32
    %mul3A_219 = vector.broadcast %mul3A_218 : i32 to vector<1x256xi32>
    %mul3A_220 = arith.muli %reshape3A_217, %mul3A_219 : vector<1x256xi32>
    %add3A_221 = arith.addi %mul3A_220, %iota3A_211 : vector<1x256xi32>
    %sub3A_222 = vector.broadcast %add3A_216 : vector<256x1xi32> to vector<256x256xi32>
    %sub3A_223 = vector.broadcast %add3A_221 : vector<1x256xi32> to vector<256x256xi32>
    %sub3A_224 = arith.subi %sub3A_222, %sub3A_223 : vector<256x256xi32>
    %lt3A_225 = arith.constant 256 : i32
    %lt3A_226 = vector.broadcast %lt3A_225 : i32 to vector<256x256xi32>
    %lt3A_227 = arith.cmpi ult, %sub3A_224, %lt3A_226 : vector<256x256xi32>
    %convert_element_type3A_228 = arith.extui %lt3A_227 : vector<256x256xi1> to vector<256x256xi32>
    %convert_element_type3A_229 = arith.sitofp %convert_element_type3A_228 : vector<256x256xi32> to vector<256x256xf32>
    %dot_general3A_230 = arith.constant dense<0.000000e+00> : vector<256x32xf32>
    %dot_general3A_231 = tpu.matmul %convert_element_type3A_229, %get3A_209, %dot_general3A_230 {dimension_numbers = #tpu.dot_dimension_numbers<[1], [0], [0], [1], [0, 0, 1, 1], [], []>, transpose_lhs_hint = false} : vector<256x256xf32>, vector<256x32xf32>, vector<256x32xf32> -> vector<256x32xf32>
    %eq3A_232 = vector.broadcast %squeeze3A_205 : i32 to vector<256xi32>
    %eq3A_233 = arith.cmpi eq, %slice3A_206, %eq3A_232 : vector<256xi32>
    %convert_element_type3A_234 = arith.extui %eq3A_233 : vector<256xi1> to vector<256xi32>
    %convert_element_type3A_235 = arith.sitofp %convert_element_type3A_234 : vector<256xi32> to vector<256xf32>
    %reshape3A_236 = vector.shape_cast %convert_element_type3A_235 : vector<256xf32> to vector<256x1xf32>
    %mul3A_237 = vector.broadcast %reshape3A_236 : vector<256x1xf32> to vector<256x32xf32>
    %mul3A_238 = vector.broadcast %slice3A_203 : vector<1x32xf32> to vector<256x32xf32>
    %mul3A_239 = arith.mulf %mul3A_237, %mul3A_238 : vector<256x32xf32>
    %add3A_240 = arith.addf %dot_general3A_231, %mul3A_239 : vector<256x32xf32>
    %swap3A_241 = arith.constant 1280 : index
    %swap3A_242 = arith.constant 0 : index
    %swap3A_243 = vector.load %arg3[%swap3A_241, %swap3A_242] : memref<8192x32xf32, #tpu.memory_space<vmem>>, vector<256x32xf32>
    tpu.vector_store %arg3[%swap3A_241, %swap3A_242], %add3A_240 {strides = array<i32>} : memref<8192x32xf32, #tpu.memory_space<vmem>>, vector<256x32xf32>,
    %slice3A_244 = vector.extract_strided_slice %add3A_240 {offsets = [255, 0], sizes = [1, 32], strides = [1, 1]} : vector<256x32xf32> to vector<1x32xf32>
    %slice3A_245 = vector.extract_strided_slice %slice3A_206 {offsets = [255], sizes = [1], strides = [1]} : vector<256xi32> to vector<1xi32>
    %squeeze3A_246 = vector.extract %slice3A_245[0] : i32 from vector<1xi32>
    %slice3A_247 = vector.extract_strided_slice %get3A_5 {offsets = [1536], sizes = [256], strides = [1]} : vector<8192xi32> to vector<256xi32>
    %get3A_248 = arith.constant 1536 : index
    %get3A_249 = arith.constant 0 : index
    %get3A_250 = vector.load %arg1[%get3A_248, %get3A_249] : memref<8192x32xf32, #tpu.memory_space<vmem>>, vector<256x32xf32>
    %iota3A_251 = tpu.iota {dimensions = array<i32: 0>} : vector<256x1xi32>
    %iota3A_252 = tpu.iota {dimensions = array<i32: 1>} : vector<1x256xi32>
    %reshape3A_253 = vector.shape_cast %slice3A_247 : vector<256xi32> to vector<256x1xi32>
    %mul3A_254 = arith.constant 256 : i32
    %mul3A_255 = vector.broadcast %mul3A_254 : i32 to vector<256x1xi32>
    %mul3A_256 = arith.muli %reshape3A_253, %mul3A_255 : vector<256x1xi32>
    %add3A_257 = arith.addi %mul3A_256, %iota3A_251 : vector<256x1xi32>
    %reshape3A_258 = vector.shape_cast %slice3A_247 : vector<256xi32> to vector<1x256xi32>
    %mul3A_259 = arith.constant 256 : i32
    %mul3A_260 = vector.broadcast %mul3A_259 : i32 to vector<1x256xi32>
    %mul3A_261 = arith.muli %reshape3A_258, %mul3A_260 : vector<1x256xi32>
    %add3A_262 = arith.addi %mul3A_261, %iota3A_252 : vector<1x256xi32>
    %sub3A_263 = vector.broadcast %add3A_257 : vector<256x1xi32> to vector<256x256xi32>
    %sub3A_264 = vector.broadcast %add3A_262 : vector<1x256xi32> to vector<256x256xi32>
    %sub3A_265 = arith.subi %sub3A_263, %sub3A_264 : vector<256x256xi32>
    %lt3A_266 = arith.constant 256 : i32
    %lt3A_267 = vector.broadcast %lt3A_266 : i32 to vector<256x256xi32>
    %lt3A_268 = arith.cmpi ult, %sub3A_265, %lt3A_267 : vector<256x256xi32>
    %convert_element_type3A_269 = arith.extui %lt3A_268 : vector<256x256xi1> to vector<256x256xi32>
    %convert_element_type3A_270 = arith.sitofp %convert_element_type3A_269 : vector<256x256xi32> to vector<256x256xf32>
    %dot_general3A_271 = arith.constant dense<0.000000e+00> : vector<256x32xf32>
    %dot_general3A_272 = tpu.matmul %convert_element_type3A_270, %get3A_250, %dot_general3A_271 {dimension_numbers = #tpu.dot_dimension_numbers<[1], [0], [0], [1], [0, 0, 1, 1], [], []>, transpose_lhs_hint = false} : vector<256x256xf32>, vector<256x32xf32>, vector<256x32xf32> -> vector<256x32xf32>
    %eq3A_273 = vector.broadcast %squeeze3A_246 : i32 to vector<256xi32>
    %eq3A_274 = arith.cmpi eq, %slice3A_247, %eq3A_273 : vector<256xi32>
    %convert_element_type3A_275 = arith.extui %eq3A_274 : vector<256xi1> to vector<256xi32>
    %convert_element_type3A_276 = arith.sitofp %convert_element_type3A_275 : vector<256xi32> to vector<256xf32>
    %reshape3A_277 = vector.shape_cast %convert_element_type3A_276 : vector<256xf32> to vector<256x1xf32>
    %mul3A_278 = vector.broadcast %reshape3A_277 : vector<256x1xf32> to vector<256x32xf32>
    %mul3A_279 = vector.broadcast %slice3A_244 : vector<1x32xf32> to vector<256x32xf32>
    %mul3A_280 = arith.mulf %mul3A_278, %mul3A_279 : vector<256x32xf32>
    %add3A_281 = arith.addf %dot_general3A_272, %mul3A_280 : vector<256x32xf32>
    %swap3A_282 = arith.constant 1536 : index
    %swap3A_283 = arith.constant 0 : index
    %swap3A_284 = vector.load %arg3[%swap3A_282, %swap3A_283] : memref<8192x32xf32, #tpu.memory_space<vmem>>, vector<256x32xf32>
    tpu.vector_store %arg3[%swap3A_282, %swap3A_283], %add3A_281 {strides = array<i32>} : memref<8192x32xf32, #tpu.memory_space<vmem>>, vector<256x32xf32>,
    %slice3A_285 = vector.extract_strided_slice %add3A_281 {offsets = [255, 0], sizes = [1, 32], strides = [1, 1]} : vector<256x32xf32> to vector<1x32xf32>
    %slice3A_286 = vector.extract_strided_slice %slice3A_247 {offsets = [255], sizes = [1], strides = [1]} : vector<256xi32> to vector<1xi32>
    %squeeze3A_287 = vector.extract %slice3A_286[0] : i32 from vector<1xi32>
    %slice3A_288 = vector.extract_strided_slice %get3A_5 {offsets = [1792], sizes = [256], strides = [1]} : vector<8192xi32> to vector<256xi32>
    %get3A_289 = arith.constant 1792 : index
    %get3A_290 = arith.constant 0 : index
    %get3A_291 = vector.load %arg1[%get3A_289, %get3A_290] : memref<8192x32xf32, #tpu.memory_space<vmem>>, vector<256x32xf32>
    %iota3A_292 = tpu.iota {dimensions = array<i32: 0>} : vector<256x1xi32>
    %iota3A_293 = tpu.iota {dimensions = array<i32: 1>} : vector<1x256xi32>
    %reshape3A_294 = vector.shape_cast %slice3A_288 : vector<256xi32> to vector<256x1xi32>
    %mul3A_295 = arith.constant 256 : i32
    %mul3A_296 = vector.broadcast %mul3A_295 : i32 to vector<256x1xi32>
    %mul3A_297 = arith.muli %reshape3A_294, %mul3A_296 : vector<256x1xi32>
    %add3A_298 = arith.addi %mul3A_297, %iota3A_292 : vector<256x1xi32>
    %reshape3A_299 = vector.shape_cast %slice3A_288 : vector<256xi32> to vector<1x256xi32>
    %mul3A_300 = arith.constant 256 : i32
    %mul3A_301 = vector.broadcast %mul3A_300 : i32 to vector<1x256xi32>
    %mul3A_302 = arith.muli %reshape3A_299, %mul3A_301 : vector<1x256xi32>
    %add3A_303 = arith.addi %mul3A_302, %iota3A_293 : vector<1x256xi32>
    %sub3A_304 = vector.broadcast %add3A_298 : vector<256x1xi32> to vector<256x256xi32>
    %sub3A_305 = vector.broadcast %add3A_303 : vector<1x256xi32> to vector<256x256xi32>
    %sub3A_306 = arith.subi %sub3A_304, %sub3A_305 : vector<256x256xi32>
    %lt3A_307 = arith.constant 256 : i32
    %lt3A_308 = vector.broadcast %lt3A_307 : i32 to vector<256x256xi32>
    %lt3A_309 = arith.cmpi ult, %sub3A_306, %lt3A_308 : vector<256x256xi32>
    %convert_element_type3A_310 = arith.extui %lt3A_309 : vector<256x256xi1> to vector<256x256xi32>
    %convert_element_type3A_311 = arith.sitofp %convert_element_type3A_310 : vector<256x256xi32> to vector<256x256xf32>
    %dot_general3A_312 = arith.constant dense<0.000000e+00> : vector<256x32xf32>
    %dot_general3A_313 = tpu.matmul %convert_element_type3A_311, %get3A_291, %dot_general3A_312 {dimension_numbers = #tpu.dot_dimension_numbers<[1], [0], [0], [1], [0, 0, 1, 1], [], []>, transpose_lhs_hint = false} : vector<256x256xf32>, vector<256x32xf32>, vector<256x32xf32> -> vector<256x32xf32>
    %eq3A_314 = vector.broadcast %squeeze3A_287 : i32 to vector<256xi32>
    %eq3A_315 = arith.cmpi eq, %slice3A_288, %eq3A_314 : vector<256xi32>
    %convert_element_type3A_316 = arith.extui %eq3A_315 : vector<256xi1> to vector<256xi32>
    %convert_element_type3A_317 = arith.sitofp %convert_element_type3A_316 : vector<256xi32> to vector<256xf32>
    %reshape3A_318 = vector.shape_cast %convert_element_type3A_317 : vector<256xf32> to vector<256x1xf32>
    %mul3A_319 = vector.broadcast %reshape3A_318 : vector<256x1xf32> to vector<256x32xf32>
    %mul3A_320 = vector.broadcast %slice3A_285 : vector<1x32xf32> to vector<256x32xf32>
    %mul3A_321 = arith.mulf %mul3A_319, %mul3A_320 : vector<256x32xf32>
    %add3A_322 = arith.addf %dot_general3A_313, %mul3A_321 : vector<256x32xf32>
    %swap3A_323 = arith.constant 1792 : index
    %swap3A_324 = arith.constant 0 : index
    %swap3A_325 = vector.load %arg3[%swap3A_323, %swap3A_324] : memref<8192x32xf32, #tpu.memory_space<vmem>>, vector<256x32xf32>
    tpu.vector_store %arg3[%swap3A_323, %swap3A_324], %add3A_322 {strides = array<i32>} : memref<8192x32xf32, #tpu.memory_space<vmem>>, vector<256x32xf32>,
    %slice3A_326 = vector.extract_strided_slice %add3A_322 {offsets = [255, 0], sizes = [1, 32], strides = [1, 1]} : vector<256x32xf32> to vector<1x32xf32>
    %slice3A_327 = vector.extract_strided_slice %slice3A_288 {offsets = [255], sizes = [1], strides = [1]} : vector<256xi32> to vector<1xi32>
    %squeeze3A_328 = vector.extract %slice3A_327[0] : i32 from vector<1xi32>
    %slice3A_329 = vector.extract_strided_slice %get3A_5 {offsets = [2048], sizes = [256], strides = [1]} : vector<8192xi32> to vector<256xi32>
    %get3A_330 = arith.constant 2048 : index
    %get3A_331 = arith.constant 0 : index
    %get3A_332 = vector.load %arg1[%get3A_330, %get3A_331] : memref<8192x32xf32, #tpu.memory_space<vmem>>, vector<256x32xf32>
    %iota3A_333 = tpu.iota {dimensions = array<i32: 0>} : vector<256x1xi32>
    %iota3A_334 = tpu.iota {dimensions = array<i32: 1>} : vector<1x256xi32>
    %reshape3A_335 = vector.shape_cast %slice3A_329 : vector<256xi32> to vector<256x1xi32>
    %mul3A_336 = arith.constant 256 : i32
    %mul3A_337 = vector.broadcast %mul3A_336 : i32 to vector<256x1xi32>
    %mul3A_338 = arith.muli %reshape3A_335, %mul3A_337 : vector<256x1xi32>
    %add3A_339 = arith.addi %mul3A_338, %iota3A_333 : vector<256x1xi32>
    %reshape3A_340 = vector.shape_cast %slice3A_329 : vector<256xi32> to vector<1x256xi32>
    %mul3A_341 = arith.constant 256 : i32
    %mul3A_342 = vector.broadcast %mul3A_341 : i32 to vector<1x256xi32>
    %mul3A_343 = arith.muli %reshape3A_340, %mul3A_342 : vector<1x256xi32>
    %add3A_344 = arith.addi %mul3A_343, %iota3A_334 : vector<1x256xi32>
    %sub3A_345 = vector.broadcast %add3A_339 : vector<256x1xi32> to vector<256x256xi32>
    %sub3A_346 = vector.broadcast %add3A_344 : vector<1x256xi32> to vector<256x256xi32>
    %sub3A_347 = arith.subi %sub3A_345, %sub3A_346 : vector<256x256xi32>
    %lt3A_348 = arith.constant 256 : i32
    %lt3A_349 = vector.broadcast %lt3A_348 : i32 to vector<256x256xi32>
    %lt3A_350 = arith.cmpi ult, %sub3A_347, %lt3A_349 : vector<256x256xi32>
    %convert_element_type3A_351 = arith.extui %lt3A_350 : vector<256x256xi1> to vector<256x256xi32>
    %convert_element_type3A_352 = arith.sitofp %convert_element_type3A_351 : vector<256x256xi32> to vector<256x256xf32>
    %dot_general3A_353 = arith.constant dense<0.000000e+00> : vector<256x32xf32>
    %dot_general3A_354 = tpu.matmul %convert_element_type3A_352, %get3A_332, %dot_general3A_353 {dimension_numbers = #tpu.dot_dimension_numbers<[1], [0], [0], [1], [0, 0, 1, 1], [], []>, transpose_lhs_hint = false} : vector<256x256xf32>, vector<256x32xf32>, vector<256x32xf32> -> vector<256x32xf32>
    %eq3A_355 = vector.broadcast %squeeze3A_328 : i32 to vector<256xi32>
    %eq3A_356 = arith.cmpi eq, %slice3A_329, %eq3A_355 : vector<256xi32>
    %convert_element_type3A_357 = arith.extui %eq3A_356 : vector<256xi1> to vector<256xi32>
    %convert_element_type3A_358 = arith.sitofp %convert_element_type3A_357 : vector<256xi32> to vector<256xf32>
    %reshape3A_359 = vector.shape_cast %convert_element_type3A_358 : vector<256xf32> to vector<256x1xf32>
    %mul3A_360 = vector.broadcast %reshape3A_359 : vector<256x1xf32> to vector<256x32xf32>
    %mul3A_361 = vector.broadcast %slice3A_326 : vector<1x32xf32> to vector<256x32xf32>
    %mul3A_362 = arith.mulf %mul3A_360, %mul3A_361 : vector<256x32xf32>
    %add3A_363 = arith.addf %dot_general3A_354, %mul3A_362 : vector<256x32xf32>
    %swap3A_364 = arith.constant 2048 : index
    %swap3A_365 = arith.constant 0 : index
    %swap3A_366 = vector.load %arg3[%swap3A_364, %swap3A_365] : memref<8192x32xf32, #tpu.memory_space<vmem>>, vector<256x32xf32>
    tpu.vector_store %arg3[%swap3A_364, %swap3A_365], %add3A_363 {strides = array<i32>} : memref<8192x32xf32, #tpu.memory_space<vmem>>, vector<256x32xf32>,
    %slice3A_367 = vector.extract_strided_slice %add3A_363 {offsets = [255, 0], sizes = [1, 32], strides = [1, 1]} : vector<256x32xf32> to vector<1x32xf32>
    %slice3A_368 = vector.extract_strided_slice %slice3A_329 {offsets = [255], sizes = [1], strides = [1]} : vector<256xi32> to vector<1xi32>
    %squeeze3A_369 = vector.extract %slice3A_368[0] : i32 from vector<1xi32>
    %slice3A_370 = vector.extract_strided_slice %get3A_5 {offsets = [2304], sizes = [256], strides = [1]} : vector<8192xi32> to vector<256xi32>
    %get3A_371 = arith.constant 2304 : index
    %get3A_372 = arith.constant 0 : index
    %get3A_373 = vector.load %arg1[%get3A_371, %get3A_372] : memref<8192x32xf32, #tpu.memory_space<vmem>>, vector<256x32xf32>
    %iota3A_374 = tpu.iota {dimensions = array<i32: 0>} : vector<256x1xi32>
    %iota3A_375 = tpu.iota {dimensions = array<i32: 1>} : vector<1x256xi32>
    %reshape3A_376 = vector.shape_cast %slice3A_370 : vector<256xi32> to vector<256x1xi32>
    %mul3A_377 = arith.constant 256 : i32
    %mul3A_378 = vector.broadcast %mul3A_377 : i32 to vector<256x1xi32>
    %mul3A_379 = arith.muli %reshape3A_376, %mul3A_378 : vector<256x1xi32>
    %add3A_380 = arith.addi %mul3A_379, %iota3A_374 : vector<256x1xi32>
    %reshape3A_381 = vector.shape_cast %slice3A_370 : vector<256xi32> to vector<1x256xi32>
    %mul3A_382 = arith.constant 256 : i32
    %mul3A_383 = vector.broadcast %mul3A_382 : i32 to vector<1x256xi32>
    %mul3A_384 = arith.muli %reshape3A_381, %mul3A_383 : vector<1x256xi32>
    %add3A_385 = arith.addi %mul3A_384, %iota3A_375 : vector<1x256xi32>
    %sub3A_386 = vector.broadcast %add3A_380 : vector<256x1xi32> to vector<256x256xi32>
    %sub3A_387 = vector.broadcast %add3A_385 : vector<1x256xi32> to vector<256x256xi32>
    %sub3A_388 = arith.subi %sub3A_386, %sub3A_387 : vector<256x256xi32>
    %lt3A_389 = arith.constant 256 : i32
    %lt3A_390 = vector.broadcast %lt3A_389 : i32 to vector<256x256xi32>
    %lt3A_391 = arith.cmpi ult, %sub3A_388, %lt3A_390 : vector<256x256xi32>
    %convert_element_type3A_392 = arith.extui %lt3A_391 : vector<256x256xi1> to vector<256x256xi32>
    %convert_element_type3A_393 = arith.sitofp %convert_element_type3A_392 : vector<256x256xi32> to vector<256x256xf32>
    %dot_general3A_394 = arith.constant dense<0.000000e+00> : vector<256x32xf32>
    %dot_general3A_395 = tpu.matmul %convert_element_type3A_393, %get3A_373, %dot_general3A_394 {dimension_numbers = #tpu.dot_dimension_numbers<[1], [0], [0], [1], [0, 0, 1, 1], [], []>, transpose_lhs_hint = false} : vector<256x256xf32>, vector<256x32xf32>, vector<256x32xf32> -> vector<256x32xf32>
    %eq3A_396 = vector.broadcast %squeeze3A_369 : i32 to vector<256xi32>
    %eq3A_397 = arith.cmpi eq, %slice3A_370, %eq3A_396 : vector<256xi32>
    %convert_element_type3A_398 = arith.extui %eq3A_397 : vector<256xi1> to vector<256xi32>
    %convert_element_type3A_399 = arith.sitofp %convert_element_type3A_398 : vector<256xi32> to vector<256xf32>
    %reshape3A_400 = vector.shape_cast %convert_element_type3A_399 : vector<256xf32> to vector<256x1xf32>
    %mul3A_401 = vector.broadcast %reshape3A_400 : vector<256x1xf32> to vector<256x32xf32>
    %mul3A_402 = vector.broadcast %slice3A_367 : vector<1x32xf32> to vector<256x32xf32>
    %mul3A_403 = arith.mulf %mul3A_401, %mul3A_402 : vector<256x32xf32>
    %add3A_404 = arith.addf %dot_general3A_395, %mul3A_403 : vector<256x32xf32>
    %swap3A_405 = arith.constant 2304 : index
    %swap3A_406 = arith.constant 0 : index
    %swap3A_407 = vector.load %arg3[%swap3A_405, %swap3A_406] : memref<8192x32xf32, #tpu.memory_space<vmem>>, vector<256x32xf32>
    tpu.vector_store %arg3[%swap3A_405, %swap3A_406], %add3A_404 {strides = array<i32>} : memref<8192x32xf32, #tpu.memory_space<vmem>>, vector<256x32xf32>,
    %slice3A_408 = vector.extract_strided_slice %add3A_404 {offsets = [255, 0], sizes = [1, 32], strides = [1, 1]} : vector<256x32xf32> to vector<1x32xf32>
    %slice3A_409 = vector.extract_strided_slice %slice3A_370 {offsets = [255], sizes = [1], strides = [1]} : vector<256xi32> to vector<1xi32>
    %squeeze3A_410 = vector.extract %slice3A_409[0] : i32 from vector<1xi32>
    %slice3A_411 = vector.extract_strided_slice %get3A_5 {offsets = [2560], sizes = [256], strides = [1]} : vector<8192xi32> to vector<256xi32>
    %get3A_412 = arith.constant 2560 : index
    %get3A_413 = arith.constant 0 : index
    %get3A_414 = vector.load %arg1[%get3A_412, %get3A_413] : memref<8192x32xf32, #tpu.memory_space<vmem>>, vector<256x32xf32>
    %iota3A_415 = tpu.iota {dimensions = array<i32: 0>} : vector<256x1xi32>
    %iota3A_416 = tpu.iota {dimensions = array<i32: 1>} : vector<1x256xi32>
    %reshape3A_417 = vector.shape_cast %slice3A_411 : vector<256xi32> to vector<256x1xi32>
    %mul3A_418 = arith.constant 256 : i32
    %mul3A_419 = vector.broadcast %mul3A_418 : i32 to vector<256x1xi32>
    %mul3A_420 = arith.muli %reshape3A_417, %mul3A_419 : vector<256x1xi32>
    %add3A_421 = arith.addi %mul3A_420, %iota3A_415 : vector<256x1xi32>
    %reshape3A_422 = vector.shape_cast %slice3A_411 : vector<256xi32> to vector<1x256xi32>
    %mul3A_423 = arith.constant 256 : i32
    %mul3A_424 = vector.broadcast %mul3A_423 : i32 to vector<1x256xi32>
    %mul3A_425 = arith.muli %reshape3A_422, %mul3A_424 : vector<1x256xi32>
    %add3A_426 = arith.addi %mul3A_425, %iota3A_416 : vector<1x256xi32>
    %sub3A_427 = vector.broadcast %add3A_421 : vector<256x1xi32> to vector<256x256xi32>
    %sub3A_428 = vector.broadcast %add3A_426 : vector<1x256xi32> to vector<256x256xi32>
    %sub3A_429 = arith.subi %sub3A_427, %sub3A_428 : vector<256x256xi32>
    %lt3A_430 = arith.constant 256 : i32
    %lt3A_431 = vector.broadcast %lt3A_430 : i32 to vector<256x256xi32>
    %lt3A_432 = arith.cmpi ult, %sub3A_429, %lt3A_431 : vector<256x256xi32>
    %convert_element_type3A_433 = arith.extui %lt3A_432 : vector<256x256xi1> to vector<256x256xi32>
    %convert_element_type3A_434 = arith.sitofp %convert_element_type3A_433 : vector<256x256xi32> to vector<256x256xf32>
    %dot_general3A_435 = arith.constant dense<0.000000e+00> : vector<256x32xf32>
    %dot_general3A_436 = tpu.matmul %convert_element_type3A_434, %get3A_414, %dot_general3A_435 {dimension_numbers = #tpu.dot_dimension_numbers<[1], [0], [0], [1], [0, 0, 1, 1], [], []>, transpose_lhs_hint = false} : vector<256x256xf32>, vector<256x32xf32>, vector<256x32xf32> -> vector<256x32xf32>
    %eq3A_437 = vector.broadcast %squeeze3A_410 : i32 to vector<256xi32>
    %eq3A_438 = arith.cmpi eq, %slice3A_411, %eq3A_437 : vector<256xi32>
    %convert_element_type3A_439 = arith.extui %eq3A_438 : vector<256xi1> to vector<256xi32>
    %convert_element_type3A_440 = arith.sitofp %convert_element_type3A_439 : vector<256xi32> to vector<256xf32>
    %reshape3A_441 = vector.shape_cast %convert_element_type3A_440 : vector<256xf32> to vector<256x1xf32>
    %mul3A_442 = vector.broadcast %reshape3A_441 : vector<256x1xf32> to vector<256x32xf32>
    %mul3A_443 = vector.broadcast %slice3A_408 : vector<1x32xf32> to vector<256x32xf32>
    %mul3A_444 = arith.mulf %mul3A_442, %mul3A_443 : vector<256x32xf32>
    %add3A_445 = arith.addf %dot_general3A_436, %mul3A_444 : vector<256x32xf32>
    %swap3A_446 = arith.constant 2560 : index
    %swap3A_447 = arith.constant 0 : index
    %swap3A_448 = vector.load %arg3[%swap3A_446, %swap3A_447] : memref<8192x32xf32, #tpu.memory_space<vmem>>, vector<256x32xf32>
    tpu.vector_store %arg3[%swap3A_446, %swap3A_447], %add3A_445 {strides = array<i32>} : memref<8192x32xf32, #tpu.memory_space<vmem>>, vector<256x32xf32>,
    %slice3A_449 = vector.extract_strided_slice %add3A_445 {offsets = [255, 0], sizes = [1, 32], strides = [1, 1]} : vector<256x32xf32> to vector<1x32xf32>
    %slice3A_450 = vector.extract_strided_slice %slice3A_411 {offsets = [255], sizes = [1], strides = [1]} : vector<256xi32> to vector<1xi32>
    %squeeze3A_451 = vector.extract %slice3A_450[0] : i32 from vector<1xi32>
    %slice3A_452 = vector.extract_strided_slice %get3A_5 {offsets = [2816], sizes = [256], strides = [1]} : vector<8192xi32> to vector<256xi32>
    %get3A_453 = arith.constant 2816 : index
    %get3A_454 = arith.constant 0 : index
    %get3A_455 = vector.load %arg1[%get3A_453, %get3A_454] : memref<8192x32xf32, #tpu.memory_space<vmem>>, vector<256x32xf32>
    %iota3A_456 = tpu.iota {dimensions = array<i32: 0>} : vector<256x1xi32>
    %iota3A_457 = tpu.iota {dimensions = array<i32: 1>} : vector<1x256xi32>
    %reshape3A_458 = vector.shape_cast %slice3A_452 : vector<256xi32> to vector<256x1xi32>
    %mul3A_459 = arith.constant 256 : i32
    %mul3A_460 = vector.broadcast %mul3A_459 : i32 to vector<256x1xi32>
    %mul3A_461 = arith.muli %reshape3A_458, %mul3A_460 : vector<256x1xi32>
    %add3A_462 = arith.addi %mul3A_461, %iota3A_456 : vector<256x1xi32>
    %reshape3A_463 = vector.shape_cast %slice3A_452 : vector<256xi32> to vector<1x256xi32>
    %mul3A_464 = arith.constant 256 : i32
    %mul3A_465 = vector.broadcast %mul3A_464 : i32 to vector<1x256xi32>
    %mul3A_466 = arith.muli %reshape3A_463, %mul3A_465 : vector<1x256xi32>
    %add3A_467 = arith.addi %mul3A_466, %iota3A_457 : vector<1x256xi32>
    %sub3A_468 = vector.broadcast %add3A_462 : vector<256x1xi32> to vector<256x256xi32>
    %sub3A_469 = vector.broadcast %add3A_467 : vector<1x256xi32> to vector<256x256xi32>
    %sub3A_470 = arith.subi %sub3A_468, %sub3A_469 : vector<256x256xi32>
    %lt3A_471 = arith.constant 256 : i32
    %lt3A_472 = vector.broadcast %lt3A_471 : i32 to vector<256x256xi32>
    %lt3A_473 = arith.cmpi ult, %sub3A_470, %lt3A_472 : vector<256x256xi32>
    %convert_element_type3A_474 = arith.extui %lt3A_473 : vector<256x256xi1> to vector<256x256xi32>
    %convert_element_type3A_475 = arith.sitofp %convert_element_type3A_474 : vector<256x256xi32> to vector<256x256xf32>
    %dot_general3A_476 = arith.constant dense<0.000000e+00> : vector<256x32xf32>
    %dot_general3A_477 = tpu.matmul %convert_element_type3A_475, %get3A_455, %dot_general3A_476 {dimension_numbers = #tpu.dot_dimension_numbers<[1], [0], [0], [1], [0, 0, 1, 1], [], []>, transpose_lhs_hint = false} : vector<256x256xf32>, vector<256x32xf32>, vector<256x32xf32> -> vector<256x32xf32>
    %eq3A_478 = vector.broadcast %squeeze3A_451 : i32 to vector<256xi32>
    %eq3A_479 = arith.cmpi eq, %slice3A_452, %eq3A_478 : vector<256xi32>
    %convert_element_type3A_480 = arith.extui %eq3A_479 : vector<256xi1> to vector<256xi32>
    %convert_element_type3A_481 = arith.sitofp %convert_element_type3A_480 : vector<256xi32> to vector<256xf32>
    %reshape3A_482 = vector.shape_cast %convert_element_type3A_481 : vector<256xf32> to vector<256x1xf32>
    %mul3A_483 = vector.broadcast %reshape3A_482 : vector<256x1xf32> to vector<256x32xf32>
    %mul3A_484 = vector.broadcast %slice3A_449 : vector<1x32xf32> to vector<256x32xf32>
    %mul3A_485 = arith.mulf %mul3A_483, %mul3A_484 : vector<256x32xf32>
    %add3A_486 = arith.addf %dot_general3A_477, %mul3A_485 : vector<256x32xf32>
    %swap3A_487 = arith.constant 2816 : index
    %swap3A_488 = arith.constant 0 : index
    %swap3A_489 = vector.load %arg3[%swap3A_487, %swap3A_488] : memref<8192x32xf32, #tpu.memory_space<vmem>>, vector<256x32xf32>
    tpu.vector_store %arg3[%swap3A_487, %swap3A_488], %add3A_486 {strides = array<i32>} : memref<8192x32xf32, #tpu.memory_space<vmem>>, vector<256x32xf32>,
    %slice3A_490 = vector.extract_strided_slice %add3A_486 {offsets = [255, 0], sizes = [1, 32], strides = [1, 1]} : vector<256x32xf32> to vector<1x32xf32>
    %slice3A_491 = vector.extract_strided_slice %slice3A_452 {offsets = [255], sizes = [1], strides = [1]} : vector<256xi32> to vector<1xi32>
    %squeeze3A_492 = vector.extract %slice3A_491[0] : i32 from vector<1xi32>
    %slice3A_493 = vector.extract_strided_slice %get3A_5 {offsets = [3072], sizes = [256], strides = [1]} : vector<8192xi32> to vector<256xi32>
    %get3A_494 = arith.constant 3072 : index
    %get3A_495 = arith.constant 0 : index
    %get3A_496 = vector.load %arg1[%get3A_494, %get3A_495] : memref<8192x32xf32, #tpu.memory_space<vmem>>, vector<256x32xf32>
    %iota3A_497 = tpu.iota {dimensions = array<i32: 0>} : vector<256x1xi32>
    %iota3A_498 = tpu.iota {dimensions = array<i32: 1>} : vector<1x256xi32>
    %reshape3A_499 = vector.shape_cast %slice3A_493 : vector<256xi32> to vector<256x1xi32>
    %mul3A_500 = arith.constant 256 : i32
    %mul3A_501 = vector.broadcast %mul3A_500 : i32 to vector<256x1xi32>
    %mul3A_502 = arith.muli %reshape3A_499, %mul3A_501 : vector<256x1xi32>
    %add3A_503 = arith.addi %mul3A_502, %iota3A_497 : vector<256x1xi32>
    %reshape3A_504 = vector.shape_cast %slice3A_493 : vector<256xi32> to vector<1x256xi32>
    %mul3A_505 = arith.constant 256 : i32
    %mul3A_506 = vector.broadcast %mul3A_505 : i32 to vector<1x256xi32>
    %mul3A_507 = arith.muli %reshape3A_504, %mul3A_506 : vector<1x256xi32>
    %add3A_508 = arith.addi %mul3A_507, %iota3A_498 : vector<1x256xi32>
    %sub3A_509 = vector.broadcast %add3A_503 : vector<256x1xi32> to vector<256x256xi32>
    %sub3A_510 = vector.broadcast %add3A_508 : vector<1x256xi32> to vector<256x256xi32>
    %sub3A_511 = arith.subi %sub3A_509, %sub3A_510 : vector<256x256xi32>
    %lt3A_512 = arith.constant 256 : i32
    %lt3A_513 = vector.broadcast %lt3A_512 : i32 to vector<256x256xi32>
    %lt3A_514 = arith.cmpi ult, %sub3A_511, %lt3A_513 : vector<256x256xi32>
    %convert_element_type3A_515 = arith.extui %lt3A_514 : vector<256x256xi1> to vector<256x256xi32>
    %convert_element_type3A_516 = arith.sitofp %convert_element_type3A_515 : vector<256x256xi32> to vector<256x256xf32>
    %dot_general3A_517 = arith.constant dense<0.000000e+00> : vector<256x32xf32>
    %dot_general3A_518 = tpu.matmul %convert_element_type3A_516, %get3A_496, %dot_general3A_517 {dimension_numbers = #tpu.dot_dimension_numbers<[1], [0], [0], [1], [0, 0, 1, 1], [], []>, transpose_lhs_hint = false} : vector<256x256xf32>, vector<256x32xf32>, vector<256x32xf32> -> vector<256x32xf32>
    %eq3A_519 = vector.broadcast %squeeze3A_492 : i32 to vector<256xi32>
    %eq3A_520 = arith.cmpi eq, %slice3A_493, %eq3A_519 : vector<256xi32>
    %convert_element_type3A_521 = arith.extui %eq3A_520 : vector<256xi1> to vector<256xi32>
    %convert_element_type3A_522 = arith.sitofp %convert_element_type3A_521 : vector<256xi32> to vector<256xf32>
    %reshape3A_523 = vector.shape_cast %convert_element_type3A_522 : vector<256xf32> to vector<256x1xf32>
    %mul3A_524 = vector.broadcast %reshape3A_523 : vector<256x1xf32> to vector<256x32xf32>
    %mul3A_525 = vector.broadcast %slice3A_490 : vector<1x32xf32> to vector<256x32xf32>
    %mul3A_526 = arith.mulf %mul3A_524, %mul3A_525 : vector<256x32xf32>
    %add3A_527 = arith.addf %dot_general3A_518, %mul3A_526 : vector<256x32xf32>
    %swap3A_528 = arith.constant 3072 : index
    %swap3A_529 = arith.constant 0 : index
    %swap3A_530 = vector.load %arg3[%swap3A_528, %swap3A_529] : memref<8192x32xf32, #tpu.memory_space<vmem>>, vector<256x32xf32>
    tpu.vector_store %arg3[%swap3A_528, %swap3A_529], %add3A_527 {strides = array<i32>} : memref<8192x32xf32, #tpu.memory_space<vmem>>, vector<256x32xf32>,
    %slice3A_531 = vector.extract_strided_slice %add3A_527 {offsets = [255, 0], sizes = [1, 32], strides = [1, 1]} : vector<256x32xf32> to vector<1x32xf32>
    %slice3A_532 = vector.extract_strided_slice %slice3A_493 {offsets = [255], sizes = [1], strides = [1]} : vector<256xi32> to vector<1xi32>
    %squeeze3A_533 = vector.extract %slice3A_532[0] : i32 from vector<1xi32>
    %slice3A_534 = vector.extract_strided_slice %get3A_5 {offsets = [3328], sizes = [256], strides = [1]} : vector<8192xi32> to vector<256xi32>
    %get3A_535 = arith.constant 3328 : index
    %get3A_536 = arith.constant 0 : index
    %get3A_537 = vector.load %arg1[%get3A_535, %get3A_536] : memref<8192x32xf32, #tpu.memory_space<vmem>>, vector<256x32xf32>
    %iota3A_538 = tpu.iota {dimensions = array<i32: 0>} : vector<256x1xi32>
    %iota3A_539 = tpu.iota {dimensions = array<i32: 1>} : vector<1x256xi32>
    %reshape3A_540 = vector.shape_cast %slice3A_534 : vector<256xi32> to vector<256x1xi32>
    %mul3A_541 = arith.constant 256 : i32
    %mul3A_542 = vector.broadcast %mul3A_541 : i32 to vector<256x1xi32>
    %mul3A_543 = arith.muli %reshape3A_540, %mul3A_542 : vector<256x1xi32>
    %add3A_544 = arith.addi %mul3A_543, %iota3A_538 : vector<256x1xi32>
    %reshape3A_545 = vector.shape_cast %slice3A_534 : vector<256xi32> to vector<1x256xi32>
    %mul3A_546 = arith.constant 256 : i32
    %mul3A_547 = vector.broadcast %mul3A_546 : i32 to vector<1x256xi32>
    %mul3A_548 = arith.muli %reshape3A_545, %mul3A_547 : vector<1x256xi32>
    %add3A_549 = arith.addi %mul3A_548, %iota3A_539 : vector<1x256xi32>
    %sub3A_550 = vector.broadcast %add3A_544 : vector<256x1xi32> to vector<256x256xi32>
    %sub3A_551 = vector.broadcast %add3A_549 : vector<1x256xi32> to vector<256x256xi32>
    %sub3A_552 = arith.subi %sub3A_550, %sub3A_551 : vector<256x256xi32>
    %lt3A_553 = arith.constant 256 : i32
    %lt3A_554 = vector.broadcast %lt3A_553 : i32 to vector<256x256xi32>
    %lt3A_555 = arith.cmpi ult, %sub3A_552, %lt3A_554 : vector<256x256xi32>
    %convert_element_type3A_556 = arith.extui %lt3A_555 : vector<256x256xi1> to vector<256x256xi32>
    %convert_element_type3A_557 = arith.sitofp %convert_element_type3A_556 : vector<256x256xi32> to vector<256x256xf32>
    %dot_general3A_558 = arith.constant dense<0.000000e+00> : vector<256x32xf32>
    %dot_general3A_559 = tpu.matmul %convert_element_type3A_557, %get3A_537, %dot_general3A_558 {dimension_numbers = #tpu.dot_dimension_numbers<[1], [0], [0], [1], [0, 0, 1, 1], [], []>, transpose_lhs_hint = false} : vector<256x256xf32>, vector<256x32xf32>, vector<256x32xf32> -> vector<256x32xf32>
    %eq3A_560 = vector.broadcast %squeeze3A_533 : i32 to vector<256xi32>
    %eq3A_561 = arith.cmpi eq, %slice3A_534, %eq3A_560 : vector<256xi32>
    %convert_element_type3A_562 = arith.extui %eq3A_561 : vector<256xi1> to vector<256xi32>
    %convert_element_type3A_563 = arith.sitofp %convert_element_type3A_562 : vector<256xi32> to vector<256xf32>
    %reshape3A_564 = vector.shape_cast %convert_element_type3A_563 : vector<256xf32> to vector<256x1xf32>
    %mul3A_565 = vector.broadcast %reshape3A_564 : vector<256x1xf32> to vector<256x32xf32>
    %mul3A_566 = vector.broadcast %slice3A_531 : vector<1x32xf32> to vector<256x32xf32>
    %mul3A_567 = arith.mulf %mul3A_565, %mul3A_566 : vector<256x32xf32>
    %add3A_568 = arith.addf %dot_general3A_559, %mul3A_567 : vector<256x32xf32>
    %swap3A_569 = arith.constant 3328 : index
    %swap3A_570 = arith.constant 0 : index
    %swap3A_571 = vector.load %arg3[%swap3A_569, %swap3A_570] : memref<8192x32xf32, #tpu.memory_space<vmem>>, vector<256x32xf32>
    tpu.vector_store %arg3[%swap3A_569, %swap3A_570], %add3A_568 {strides = array<i32>} : memref<8192x32xf32, #tpu.memory_space<vmem>>, vector<256x32xf32>,
    %slice3A_572 = vector.extract_strided_slice %add3A_568 {offsets = [255, 0], sizes = [1, 32], strides = [1, 1]} : vector<256x32xf32> to vector<1x32xf32>
    %slice3A_573 = vector.extract_strided_slice %slice3A_534 {offsets = [255], sizes = [1], strides = [1]} : vector<256xi32> to vector<1xi32>
    %squeeze3A_574 = vector.extract %slice3A_573[0] : i32 from vector<1xi32>
    %slice3A_575 = vector.extract_strided_slice %get3A_5 {offsets = [3584], sizes = [256], strides = [1]} : vector<8192xi32> to vector<256xi32>
    %get3A_576 = arith.constant 3584 : index
    %get3A_577 = arith.constant 0 : index
    %get3A_578 = vector.load %arg1[%get3A_576, %get3A_577] : memref<8192x32xf32, #tpu.memory_space<vmem>>, vector<256x32xf32>
    %iota3A_579 = tpu.iota {dimensions = array<i32: 0>} : vector<256x1xi32>
    %iota3A_580 = tpu.iota {dimensions = array<i32: 1>} : vector<1x256xi32>
    %reshape3A_581 = vector.shape_cast %slice3A_575 : vector<256xi32> to vector<256x1xi32>
    %mul3A_582 = arith.constant 256 : i32
    %mul3A_583 = vector.broadcast %mul3A_582 : i32 to vector<256x1xi32>
    %mul3A_584 = arith.muli %reshape3A_581, %mul3A_583 : vector<256x1xi32>
    %add3A_585 = arith.addi %mul3A_584, %iota3A_579 : vector<256x1xi32>
    %reshape3A_586 = vector.shape_cast %slice3A_575 : vector<256xi32> to vector<1x256xi32>
    %mul3A_587 = arith.constant 256 : i32
    %mul3A_588 = vector.broadcast %mul3A_587 : i32 to vector<1x256xi32>
    %mul3A_589 = arith.muli %reshape3A_586, %mul3A_588 : vector<1x256xi32>
    %add3A_590 = arith.addi %mul3A_589, %iota3A_580 : vector<1x256xi32>
    %sub3A_591 = vector.broadcast %add3A_585 : vector<256x1xi32> to vector<256x256xi32>
    %sub3A_592 = vector.broadcast %add3A_590 : vector<1x256xi32> to vector<256x256xi32>
    %sub3A_593 = arith.subi %sub3A_591, %sub3A_592 : vector<256x256xi32>
    %lt3A_594 = arith.constant 256 : i32
    %lt3A_595 = vector.broadcast %lt3A_594 : i32 to vector<256x256xi32>
    %lt3A_596 = arith.cmpi ult, %sub3A_593, %lt3A_595 : vector<256x256xi32>
    %convert_element_type3A_597 = arith.extui %lt3A_596 : vector<256x256xi1> to vector<256x256xi32>
    %convert_element_type3A_598 = arith.sitofp %convert_element_type3A_597 : vector<256x256xi32> to vector<256x256xf32>
    %dot_general3A_599 = arith.constant dense<0.000000e+00> : vector<256x32xf32>
    %dot_general3A_600 = tpu.matmul %convert_element_type3A_598, %get3A_578, %dot_general3A_599 {dimension_numbers = #tpu.dot_dimension_numbers<[1], [0], [0], [1], [0, 0, 1, 1], [], []>, transpose_lhs_hint = false} : vector<256x256xf32>, vector<256x32xf32>, vector<256x32xf32> -> vector<256x32xf32>
    %eq3A_601 = vector.broadcast %squeeze3A_574 : i32 to vector<256xi32>
    %eq3A_602 = arith.cmpi eq, %slice3A_575, %eq3A_601 : vector<256xi32>
    %convert_element_type3A_603 = arith.extui %eq3A_602 : vector<256xi1> to vector<256xi32>
    %convert_element_type3A_604 = arith.sitofp %convert_element_type3A_603 : vector<256xi32> to vector<256xf32>
    %reshape3A_605 = vector.shape_cast %convert_element_type3A_604 : vector<256xf32> to vector<256x1xf32>
    %mul3A_606 = vector.broadcast %reshape3A_605 : vector<256x1xf32> to vector<256x32xf32>
    %mul3A_607 = vector.broadcast %slice3A_572 : vector<1x32xf32> to vector<256x32xf32>
    %mul3A_608 = arith.mulf %mul3A_606, %mul3A_607 : vector<256x32xf32>
    %add3A_609 = arith.addf %dot_general3A_600, %mul3A_608 : vector<256x32xf32>
    %swap3A_610 = arith.constant 3584 : index
    %swap3A_611 = arith.constant 0 : index
    %swap3A_612 = vector.load %arg3[%swap3A_610, %swap3A_611] : memref<8192x32xf32, #tpu.memory_space<vmem>>, vector<256x32xf32>
    tpu.vector_store %arg3[%swap3A_610, %swap3A_611], %add3A_609 {strides = array<i32>} : memref<8192x32xf32, #tpu.memory_space<vmem>>, vector<256x32xf32>,
    %slice3A_613 = vector.extract_strided_slice %add3A_609 {offsets = [255, 0], sizes = [1, 32], strides = [1, 1]} : vector<256x32xf32> to vector<1x32xf32>
    %slice3A_614 = vector.extract_strided_slice %slice3A_575 {offsets = [255], sizes = [1], strides = [1]} : vector<256xi32> to vector<1xi32>
    %squeeze3A_615 = vector.extract %slice3A_614[0] : i32 from vector<1xi32>
    %slice3A_616 = vector.extract_strided_slice %get3A_5 {offsets = [3840], sizes = [256], strides = [1]} : vector<8192xi32> to vector<256xi32>
    %get3A_617 = arith.constant 3840 : index
    %get3A_618 = arith.constant 0 : index
    %get3A_619 = vector.load %arg1[%get3A_617, %get3A_618] : memref<8192x32xf32, #tpu.memory_space<vmem>>, vector<256x32xf32>
    %iota3A_620 = tpu.iota {dimensions = array<i32: 0>} : vector<256x1xi32>
    %iota3A_621 = tpu.iota {dimensions = array<i32: 1>} : vector<1x256xi32>
    %reshape3A_622 = vector.shape_cast %slice3A_616 : vector<256xi32> to vector<256x1xi32>
    %mul3A_623 = arith.constant 256 : i32
    %mul3A_624 = vector.broadcast %mul3A_623 : i32 to vector<256x1xi32>
    %mul3A_625 = arith.muli %reshape3A_622, %mul3A_624 : vector<256x1xi32>
    %add3A_626 = arith.addi %mul3A_625, %iota3A_620 : vector<256x1xi32>
    %reshape3A_627 = vector.shape_cast %slice3A_616 : vector<256xi32> to vector<1x256xi32>
    %mul3A_628 = arith.constant 256 : i32
    %mul3A_629 = vector.broadcast %mul3A_628 : i32 to vector<1x256xi32>
    %mul3A_630 = arith.muli %reshape3A_627, %mul3A_629 : vector<1x256xi32>
    %add3A_631 = arith.addi %mul3A_630, %iota3A_621 : vector<1x256xi32>
    %sub3A_632 = vector.broadcast %add3A_626 : vector<256x1xi32> to vector<256x256xi32>
    %sub3A_633 = vector.broadcast %add3A_631 : vector<1x256xi32> to vector<256x256xi32>
    %sub3A_634 = arith.subi %sub3A_632, %sub3A_633 : vector<256x256xi32>
    %lt3A_635 = arith.constant 256 : i32
    %lt3A_636 = vector.broadcast %lt3A_635 : i32 to vector<256x256xi32>
    %lt3A_637 = arith.cmpi ult, %sub3A_634, %lt3A_636 : vector<256x256xi32>
    %convert_element_type3A_638 = arith.extui %lt3A_637 : vector<256x256xi1> to vector<256x256xi32>
    %convert_element_type3A_639 = arith.sitofp %convert_element_type3A_638 : vector<256x256xi32> to vector<256x256xf32>
    %dot_general3A_640 = arith.constant dense<0.000000e+00> : vector<256x32xf32>
    %dot_general3A_641 = tpu.matmul %convert_element_type3A_639, %get3A_619, %dot_general3A_640 {dimension_numbers = #tpu.dot_dimension_numbers<[1], [0], [0], [1], [0, 0, 1, 1], [], []>, transpose_lhs_hint = false} : vector<256x256xf32>, vector<256x32xf32>, vector<256x32xf32> -> vector<256x32xf32>
    %eq3A_642 = vector.broadcast %squeeze3A_615 : i32 to vector<256xi32>
    %eq3A_643 = arith.cmpi eq, %slice3A_616, %eq3A_642 : vector<256xi32>
    %convert_element_type3A_644 = arith.extui %eq3A_643 : vector<256xi1> to vector<256xi32>
    %convert_element_type3A_645 = arith.sitofp %convert_element_type3A_644 : vector<256xi32> to vector<256xf32>
    %reshape3A_646 = vector.shape_cast %convert_element_type3A_645 : vector<256xf32> to vector<256x1xf32>
    %mul3A_647 = vector.broadcast %reshape3A_646 : vector<256x1xf32> to vector<256x32xf32>
    %mul3A_648 = vector.broadcast %slice3A_613 : vector<1x32xf32> to vector<256x32xf32>
    %mul3A_649 = arith.mulf %mul3A_647, %mul3A_648 : vector<256x32xf32>
    %add3A_650 = arith.addf %dot_general3A_641, %mul3A_649 : vector<256x32xf32>
    %swap3A_651 = arith.constant 3840 : index
    %swap3A_652 = arith.constant 0 : index
    %swap3A_653 = vector.load %arg3[%swap3A_651, %swap3A_652] : memref<8192x32xf32, #tpu.memory_space<vmem>>, vector<256x32xf32>
    tpu.vector_store %arg3[%swap3A_651, %swap3A_652], %add3A_650 {strides = array<i32>} : memref<8192x32xf32, #tpu.memory_space<vmem>>, vector<256x32xf32>,
    %slice3A_654 = vector.extract_strided_slice %add3A_650 {offsets = [255, 0], sizes = [1, 32], strides = [1, 1]} : vector<256x32xf32> to vector<1x32xf32>
    %slice3A_655 = vector.extract_strided_slice %slice3A_616 {offsets = [255], sizes = [1], strides = [1]} : vector<256xi32> to vector<1xi32>
    %squeeze3A_656 = vector.extract %slice3A_655[0] : i32 from vector<1xi32>
    %slice3A_657 = vector.extract_strided_slice %get3A_5 {offsets = [4096], sizes = [256], strides = [1]} : vector<8192xi32> to vector<256xi32>
    %get3A_658 = arith.constant 4096 : index
    %get3A_659 = arith.constant 0 : index
    %get3A_660 = vector.load %arg1[%get3A_658, %get3A_659] : memref<8192x32xf32, #tpu.memory_space<vmem>>, vector<256x32xf32>
    %iota3A_661 = tpu.iota {dimensions = array<i32: 0>} : vector<256x1xi32>
    %iota3A_662 = tpu.iota {dimensions = array<i32: 1>} : vector<1x256xi32>
    %reshape3A_663 = vector.shape_cast %slice3A_657 : vector<256xi32> to vector<256x1xi32>
    %mul3A_664 = arith.constant 256 : i32
    %mul3A_665 = vector.broadcast %mul3A_664 : i32 to vector<256x1xi32>
    %mul3A_666 = arith.muli %reshape3A_663, %mul3A_665 : vector<256x1xi32>
    %add3A_667 = arith.addi %mul3A_666, %iota3A_661 : vector<256x1xi32>
    %reshape3A_668 = vector.shape_cast %slice3A_657 : vector<256xi32> to vector<1x256xi32>
    %mul3A_669 = arith.constant 256 : i32
    %mul3A_670 = vector.broadcast %mul3A_669 : i32 to vector<1x256xi32>
    %mul3A_671 = arith.muli %reshape3A_668, %mul3A_670 : vector<1x256xi32>
    %add3A_672 = arith.addi %mul3A_671, %iota3A_662 : vector<1x256xi32>
    %sub3A_673 = vector.broadcast %add3A_667 : vector<256x1xi32> to vector<256x256xi32>
    %sub3A_674 = vector.broadcast %add3A_672 : vector<1x256xi32> to vector<256x256xi32>
    %sub3A_675 = arith.subi %sub3A_673, %sub3A_674 : vector<256x256xi32>
    %lt3A_676 = arith.constant 256 : i32
    %lt3A_677 = vector.broadcast %lt3A_676 : i32 to vector<256x256xi32>
    %lt3A_678 = arith.cmpi ult, %sub3A_675, %lt3A_677 : vector<256x256xi32>
    %convert_element_type3A_679 = arith.extui %lt3A_678 : vector<256x256xi1> to vector<256x256xi32>
    %convert_element_type3A_680 = arith.sitofp %convert_element_type3A_679 : vector<256x256xi32> to vector<256x256xf32>
    %dot_general3A_681 = arith.constant dense<0.000000e+00> : vector<256x32xf32>
    %dot_general3A_682 = tpu.matmul %convert_element_type3A_680, %get3A_660, %dot_general3A_681 {dimension_numbers = #tpu.dot_dimension_numbers<[1], [0], [0], [1], [0, 0, 1, 1], [], []>, transpose_lhs_hint = false} : vector<256x256xf32>, vector<256x32xf32>, vector<256x32xf32> -> vector<256x32xf32>
    %eq3A_683 = vector.broadcast %squeeze3A_656 : i32 to vector<256xi32>
    %eq3A_684 = arith.cmpi eq, %slice3A_657, %eq3A_683 : vector<256xi32>
    %convert_element_type3A_685 = arith.extui %eq3A_684 : vector<256xi1> to vector<256xi32>
    %convert_element_type3A_686 = arith.sitofp %convert_element_type3A_685 : vector<256xi32> to vector<256xf32>
    %reshape3A_687 = vector.shape_cast %convert_element_type3A_686 : vector<256xf32> to vector<256x1xf32>
    %mul3A_688 = vector.broadcast %reshape3A_687 : vector<256x1xf32> to vector<256x32xf32>
    %mul3A_689 = vector.broadcast %slice3A_654 : vector<1x32xf32> to vector<256x32xf32>
    %mul3A_690 = arith.mulf %mul3A_688, %mul3A_689 : vector<256x32xf32>
    %add3A_691 = arith.addf %dot_general3A_682, %mul3A_690 : vector<256x32xf32>
    %swap3A_692 = arith.constant 4096 : index
    %swap3A_693 = arith.constant 0 : index
    %swap3A_694 = vector.load %arg3[%swap3A_692, %swap3A_693] : memref<8192x32xf32, #tpu.memory_space<vmem>>, vector<256x32xf32>
    tpu.vector_store %arg3[%swap3A_692, %swap3A_693], %add3A_691 {strides = array<i32>} : memref<8192x32xf32, #tpu.memory_space<vmem>>, vector<256x32xf32>,
    %slice3A_695 = vector.extract_strided_slice %add3A_691 {offsets = [255, 0], sizes = [1, 32], strides = [1, 1]} : vector<256x32xf32> to vector<1x32xf32>
    %slice3A_696 = vector.extract_strided_slice %slice3A_657 {offsets = [255], sizes = [1], strides = [1]} : vector<256xi32> to vector<1xi32>
    %squeeze3A_697 = vector.extract %slice3A_696[0] : i32 from vector<1xi32>
    %slice3A_698 = vector.extract_strided_slice %get3A_5 {offsets = [4352], sizes = [256], strides = [1]} : vector<8192xi32> to vector<256xi32>
    %get3A_699 = arith.constant 4352 : index
    %get3A_700 = arith.constant 0 : index
    %get3A_701 = vector.load %arg1[%get3A_699, %get3A_700] : memref<8192x32xf32, #tpu.memory_space<vmem>>, vector<256x32xf32>
    %iota3A_702 = tpu.iota {dimensions = array<i32: 0>} : vector<256x1xi32>
    %iota3A_703 = tpu.iota {dimensions = array<i32: 1>} : vector<1x256xi32>
    %reshape3A_704 = vector.shape_cast %slice3A_698 : vector<256xi32> to vector<256x1xi32>
    %mul3A_705 = arith.constant 256 : i32
    %mul3A_706 = vector.broadcast %mul3A_705 : i32 to vector<256x1xi32>
    %mul3A_707 = arith.muli %reshape3A_704, %mul3A_706 : vector<256x1xi32>
    %add3A_708 = arith.addi %mul3A_707, %iota3A_702 : vector<256x1xi32>
    %reshape3A_709 = vector.shape_cast %slice3A_698 : vector<256xi32> to vector<1x256xi32>
    %mul3A_710 = arith.constant 256 : i32
    %mul3A_711 = vector.broadcast %mul3A_710 : i32 to vector<1x256xi32>
    %mul3A_712 = arith.muli %reshape3A_709, %mul3A_711 : vector<1x256xi32>
    %add3A_713 = arith.addi %mul3A_712, %iota3A_703 : vector<1x256xi32>
    %sub3A_714 = vector.broadcast %add3A_708 : vector<256x1xi32> to vector<256x256xi32>
    %sub3A_715 = vector.broadcast %add3A_713 : vector<1x256xi32> to vector<256x256xi32>
    %sub3A_716 = arith.subi %sub3A_714, %sub3A_715 : vector<256x256xi32>
    %lt3A_717 = arith.constant 256 : i32
    %lt3A_718 = vector.broadcast %lt3A_717 : i32 to vector<256x256xi32>
    %lt3A_719 = arith.cmpi ult, %sub3A_716, %lt3A_718 : vector<256x256xi32>
    %convert_element_type3A_720 = arith.extui %lt3A_719 : vector<256x256xi1> to vector<256x256xi32>
    %convert_element_type3A_721 = arith.sitofp %convert_element_type3A_720 : vector<256x256xi32> to vector<256x256xf32>
    %dot_general3A_722 = arith.constant dense<0.000000e+00> : vector<256x32xf32>
    %dot_general3A_723 = tpu.matmul %convert_element_type3A_721, %get3A_701, %dot_general3A_722 {dimension_numbers = #tpu.dot_dimension_numbers<[1], [0], [0], [1], [0, 0, 1, 1], [], []>, transpose_lhs_hint = false} : vector<256x256xf32>, vector<256x32xf32>, vector<256x32xf32> -> vector<256x32xf32>
    %eq3A_724 = vector.broadcast %squeeze3A_697 : i32 to vector<256xi32>
    %eq3A_725 = arith.cmpi eq, %slice3A_698, %eq3A_724 : vector<256xi32>
    %convert_element_type3A_726 = arith.extui %eq3A_725 : vector<256xi1> to vector<256xi32>
    %convert_element_type3A_727 = arith.sitofp %convert_element_type3A_726 : vector<256xi32> to vector<256xf32>
    %reshape3A_728 = vector.shape_cast %convert_element_type3A_727 : vector<256xf32> to vector<256x1xf32>
    %mul3A_729 = vector.broadcast %reshape3A_728 : vector<256x1xf32> to vector<256x32xf32>
    %mul3A_730 = vector.broadcast %slice3A_695 : vector<1x32xf32> to vector<256x32xf32>
    %mul3A_731 = arith.mulf %mul3A_729, %mul3A_730 : vector<256x32xf32>
    %add3A_732 = arith.addf %dot_general3A_723, %mul3A_731 : vector<256x32xf32>
    %swap3A_733 = arith.constant 4352 : index
    %swap3A_734 = arith.constant 0 : index
    %swap3A_735 = vector.load %arg3[%swap3A_733, %swap3A_734] : memref<8192x32xf32, #tpu.memory_space<vmem>>, vector<256x32xf32>
    tpu.vector_store %arg3[%swap3A_733, %swap3A_734], %add3A_732 {strides = array<i32>} : memref<8192x32xf32, #tpu.memory_space<vmem>>, vector<256x32xf32>,
    %slice3A_736 = vector.extract_strided_slice %add3A_732 {offsets = [255, 0], sizes = [1, 32], strides = [1, 1]} : vector<256x32xf32> to vector<1x32xf32>
    %slice3A_737 = vector.extract_strided_slice %slice3A_698 {offsets = [255], sizes = [1], strides = [1]} : vector<256xi32> to vector<1xi32>
    %squeeze3A_738 = vector.extract %slice3A_737[0] : i32 from vector<1xi32>
    %slice3A_739 = vector.extract_strided_slice %get3A_5 {offsets = [4608], sizes = [256], strides = [1]} : vector<8192xi32> to vector<256xi32>
    %get3A_740 = arith.constant 4608 : index
    %get3A_741 = arith.constant 0 : index
    %get3A_742 = vector.load %arg1[%get3A_740, %get3A_741] : memref<8192x32xf32, #tpu.memory_space<vmem>>, vector<256x32xf32>
    %iota3A_743 = tpu.iota {dimensions = array<i32: 0>} : vector<256x1xi32>
    %iota3A_744 = tpu.iota {dimensions = array<i32: 1>} : vector<1x256xi32>
    %reshape3A_745 = vector.shape_cast %slice3A_739 : vector<256xi32> to vector<256x1xi32>
    %mul3A_746 = arith.constant 256 : i32
    %mul3A_747 = vector.broadcast %mul3A_746 : i32 to vector<256x1xi32>
    %mul3A_748 = arith.muli %reshape3A_745, %mul3A_747 : vector<256x1xi32>
    %add3A_749 = arith.addi %mul3A_748, %iota3A_743 : vector<256x1xi32>
    %reshape3A_750 = vector.shape_cast %slice3A_739 : vector<256xi32> to vector<1x256xi32>
    %mul3A_751 = arith.constant 256 : i32
    %mul3A_752 = vector.broadcast %mul3A_751 : i32 to vector<1x256xi32>
    %mul3A_753 = arith.muli %reshape3A_750, %mul3A_752 : vector<1x256xi32>
    %add3A_754 = arith.addi %mul3A_753, %iota3A_744 : vector<1x256xi32>
    %sub3A_755 = vector.broadcast %add3A_749 : vector<256x1xi32> to vector<256x256xi32>
    %sub3A_756 = vector.broadcast %add3A_754 : vector<1x256xi32> to vector<256x256xi32>
    %sub3A_757 = arith.subi %sub3A_755, %sub3A_756 : vector<256x256xi32>
    %lt3A_758 = arith.constant 256 : i32
    %lt3A_759 = vector.broadcast %lt3A_758 : i32 to vector<256x256xi32>
    %lt3A_760 = arith.cmpi ult, %sub3A_757, %lt3A_759 : vector<256x256xi32>
    %convert_element_type3A_761 = arith.extui %lt3A_760 : vector<256x256xi1> to vector<256x256xi32>
    %convert_element_type3A_762 = arith.sitofp %convert_element_type3A_761 : vector<256x256xi32> to vector<256x256xf32>
    %dot_general3A_763 = arith.constant dense<0.000000e+00> : vector<256x32xf32>
    %dot_general3A_764 = tpu.matmul %convert_element_type3A_762, %get3A_742, %dot_general3A_763 {dimension_numbers = #tpu.dot_dimension_numbers<[1], [0], [0], [1], [0, 0, 1, 1], [], []>, transpose_lhs_hint = false} : vector<256x256xf32>, vector<256x32xf32>, vector<256x32xf32> -> vector<256x32xf32>
    %eq3A_765 = vector.broadcast %squeeze3A_738 : i32 to vector<256xi32>
    %eq3A_766 = arith.cmpi eq, %slice3A_739, %eq3A_765 : vector<256xi32>
    %convert_element_type3A_767 = arith.extui %eq3A_766 : vector<256xi1> to vector<256xi32>
    %convert_element_type3A_768 = arith.sitofp %convert_element_type3A_767 : vector<256xi32> to vector<256xf32>
    %reshape3A_769 = vector.shape_cast %convert_element_type3A_768 : vector<256xf32> to vector<256x1xf32>
    %mul3A_770 = vector.broadcast %reshape3A_769 : vector<256x1xf32> to vector<256x32xf32>
    %mul3A_771 = vector.broadcast %slice3A_736 : vector<1x32xf32> to vector<256x32xf32>
    %mul3A_772 = arith.mulf %mul3A_770, %mul3A_771 : vector<256x32xf32>
    %add3A_773 = arith.addf %dot_general3A_764, %mul3A_772 : vector<256x32xf32>
    %swap3A_774 = arith.constant 4608 : index
    %swap3A_775 = arith.constant 0 : index
    %swap3A_776 = vector.load %arg3[%swap3A_774, %swap3A_775] : memref<8192x32xf32, #tpu.memory_space<vmem>>, vector<256x32xf32>
    tpu.vector_store %arg3[%swap3A_774, %swap3A_775], %add3A_773 {strides = array<i32>} : memref<8192x32xf32, #tpu.memory_space<vmem>>, vector<256x32xf32>,
    %slice3A_777 = vector.extract_strided_slice %add3A_773 {offsets = [255, 0], sizes = [1, 32], strides = [1, 1]} : vector<256x32xf32> to vector<1x32xf32>
    %slice3A_778 = vector.extract_strided_slice %slice3A_739 {offsets = [255], sizes = [1], strides = [1]} : vector<256xi32> to vector<1xi32>
    %squeeze3A_779 = vector.extract %slice3A_778[0] : i32 from vector<1xi32>
    %slice3A_780 = vector.extract_strided_slice %get3A_5 {offsets = [4864], sizes = [256], strides = [1]} : vector<8192xi32> to vector<256xi32>
    %get3A_781 = arith.constant 4864 : index
    %get3A_782 = arith.constant 0 : index
    %get3A_783 = vector.load %arg1[%get3A_781, %get3A_782] : memref<8192x32xf32, #tpu.memory_space<vmem>>, vector<256x32xf32>
    %iota3A_784 = tpu.iota {dimensions = array<i32: 0>} : vector<256x1xi32>
    %iota3A_785 = tpu.iota {dimensions = array<i32: 1>} : vector<1x256xi32>
    %reshape3A_786 = vector.shape_cast %slice3A_780 : vector<256xi32> to vector<256x1xi32>
    %mul3A_787 = arith.constant 256 : i32
    %mul3A_788 = vector.broadcast %mul3A_787 : i32 to vector<256x1xi32>
    %mul3A_789 = arith.muli %reshape3A_786, %mul3A_788 : vector<256x1xi32>
    %add3A_790 = arith.addi %mul3A_789, %iota3A_784 : vector<256x1xi32>
    %reshape3A_791 = vector.shape_cast %slice3A_780 : vector<256xi32> to vector<1x256xi32>
    %mul3A_792 = arith.constant 256 : i32
    %mul3A_793 = vector.broadcast %mul3A_792 : i32 to vector<1x256xi32>
    %mul3A_794 = arith.muli %reshape3A_791, %mul3A_793 : vector<1x256xi32>
    %add3A_795 = arith.addi %mul3A_794, %iota3A_785 : vector<1x256xi32>
    %sub3A_796 = vector.broadcast %add3A_790 : vector<256x1xi32> to vector<256x256xi32>
    %sub3A_797 = vector.broadcast %add3A_795 : vector<1x256xi32> to vector<256x256xi32>
    %sub3A_798 = arith.subi %sub3A_796, %sub3A_797 : vector<256x256xi32>
    %lt3A_799 = arith.constant 256 : i32
    %lt3A_800 = vector.broadcast %lt3A_799 : i32 to vector<256x256xi32>
    %lt3A_801 = arith.cmpi ult, %sub3A_798, %lt3A_800 : vector<256x256xi32>
    %convert_element_type3A_802 = arith.extui %lt3A_801 : vector<256x256xi1> to vector<256x256xi32>
    %convert_element_type3A_803 = arith.sitofp %convert_element_type3A_802 : vector<256x256xi32> to vector<256x256xf32>
    %dot_general3A_804 = arith.constant dense<0.000000e+00> : vector<256x32xf32>
    %dot_general3A_805 = tpu.matmul %convert_element_type3A_803, %get3A_783, %dot_general3A_804 {dimension_numbers = #tpu.dot_dimension_numbers<[1], [0], [0], [1], [0, 0, 1, 1], [], []>, transpose_lhs_hint = false} : vector<256x256xf32>, vector<256x32xf32>, vector<256x32xf32> -> vector<256x32xf32>
    %eq3A_806 = vector.broadcast %squeeze3A_779 : i32 to vector<256xi32>
    %eq3A_807 = arith.cmpi eq, %slice3A_780, %eq3A_806 : vector<256xi32>
    %convert_element_type3A_808 = arith.extui %eq3A_807 : vector<256xi1> to vector<256xi32>
    %convert_element_type3A_809 = arith.sitofp %convert_element_type3A_808 : vector<256xi32> to vector<256xf32>
    %reshape3A_810 = vector.shape_cast %convert_element_type3A_809 : vector<256xf32> to vector<256x1xf32>
    %mul3A_811 = vector.broadcast %reshape3A_810 : vector<256x1xf32> to vector<256x32xf32>
    %mul3A_812 = vector.broadcast %slice3A_777 : vector<1x32xf32> to vector<256x32xf32>
    %mul3A_813 = arith.mulf %mul3A_811, %mul3A_812 : vector<256x32xf32>
    %add3A_814 = arith.addf %dot_general3A_805, %mul3A_813 : vector<256x32xf32>
    %swap3A_815 = arith.constant 4864 : index
    %swap3A_816 = arith.constant 0 : index
    %swap3A_817 = vector.load %arg3[%swap3A_815, %swap3A_816] : memref<8192x32xf32, #tpu.memory_space<vmem>>, vector<256x32xf32>
    tpu.vector_store %arg3[%swap3A_815, %swap3A_816], %add3A_814 {strides = array<i32>} : memref<8192x32xf32, #tpu.memory_space<vmem>>, vector<256x32xf32>,
    %slice3A_818 = vector.extract_strided_slice %add3A_814 {offsets = [255, 0], sizes = [1, 32], strides = [1, 1]} : vector<256x32xf32> to vector<1x32xf32>
    %slice3A_819 = vector.extract_strided_slice %slice3A_780 {offsets = [255], sizes = [1], strides = [1]} : vector<256xi32> to vector<1xi32>
    %squeeze3A_820 = vector.extract %slice3A_819[0] : i32 from vector<1xi32>
    %slice3A_821 = vector.extract_strided_slice %get3A_5 {offsets = [5120], sizes = [256], strides = [1]} : vector<8192xi32> to vector<256xi32>
    %get3A_822 = arith.constant 5120 : index
    %get3A_823 = arith.constant 0 : index
    %get3A_824 = vector.load %arg1[%get3A_822, %get3A_823] : memref<8192x32xf32, #tpu.memory_space<vmem>>, vector<256x32xf32>
    %iota3A_825 = tpu.iota {dimensions = array<i32: 0>} : vector<256x1xi32>
    %iota3A_826 = tpu.iota {dimensions = array<i32: 1>} : vector<1x256xi32>
    %reshape3A_827 = vector.shape_cast %slice3A_821 : vector<256xi32> to vector<256x1xi32>
    %mul3A_828 = arith.constant 256 : i32
    %mul3A_829 = vector.broadcast %mul3A_828 : i32 to vector<256x1xi32>
    %mul3A_830 = arith.muli %reshape3A_827, %mul3A_829 : vector<256x1xi32>
    %add3A_831 = arith.addi %mul3A_830, %iota3A_825 : vector<256x1xi32>
    %reshape3A_832 = vector.shape_cast %slice3A_821 : vector<256xi32> to vector<1x256xi32>
    %mul3A_833 = arith.constant 256 : i32
    %mul3A_834 = vector.broadcast %mul3A_833 : i32 to vector<1x256xi32>
    %mul3A_835 = arith.muli %reshape3A_832, %mul3A_834 : vector<1x256xi32>
    %add3A_836 = arith.addi %mul3A_835, %iota3A_826 : vector<1x256xi32>
    %sub3A_837 = vector.broadcast %add3A_831 : vector<256x1xi32> to vector<256x256xi32>
    %sub3A_838 = vector.broadcast %add3A_836 : vector<1x256xi32> to vector<256x256xi32>
    %sub3A_839 = arith.subi %sub3A_837, %sub3A_838 : vector<256x256xi32>
    %lt3A_840 = arith.constant 256 : i32
    %lt3A_841 = vector.broadcast %lt3A_840 : i32 to vector<256x256xi32>
    %lt3A_842 = arith.cmpi ult, %sub3A_839, %lt3A_841 : vector<256x256xi32>
    %convert_element_type3A_843 = arith.extui %lt3A_842 : vector<256x256xi1> to vector<256x256xi32>
    %convert_element_type3A_844 = arith.sitofp %convert_element_type3A_843 : vector<256x256xi32> to vector<256x256xf32>
    %dot_general3A_845 = arith.constant dense<0.000000e+00> : vector<256x32xf32>
    %dot_general3A_846 = tpu.matmul %convert_element_type3A_844, %get3A_824, %dot_general3A_845 {dimension_numbers = #tpu.dot_dimension_numbers<[1], [0], [0], [1], [0, 0, 1, 1], [], []>, transpose_lhs_hint = false} : vector<256x256xf32>, vector<256x32xf32>, vector<256x32xf32> -> vector<256x32xf32>
    %eq3A_847 = vector.broadcast %squeeze3A_820 : i32 to vector<256xi32>
    %eq3A_848 = arith.cmpi eq, %slice3A_821, %eq3A_847 : vector<256xi32>
    %convert_element_type3A_849 = arith.extui %eq3A_848 : vector<256xi1> to vector<256xi32>
    %convert_element_type3A_850 = arith.sitofp %convert_element_type3A_849 : vector<256xi32> to vector<256xf32>
    %reshape3A_851 = vector.shape_cast %convert_element_type3A_850 : vector<256xf32> to vector<256x1xf32>
    %mul3A_852 = vector.broadcast %reshape3A_851 : vector<256x1xf32> to vector<256x32xf32>
    %mul3A_853 = vector.broadcast %slice3A_818 : vector<1x32xf32> to vector<256x32xf32>
    %mul3A_854 = arith.mulf %mul3A_852, %mul3A_853 : vector<256x32xf32>
    %add3A_855 = arith.addf %dot_general3A_846, %mul3A_854 : vector<256x32xf32>
    %swap3A_856 = arith.constant 5120 : index
    %swap3A_857 = arith.constant 0 : index
    %swap3A_858 = vector.load %arg3[%swap3A_856, %swap3A_857] : memref<8192x32xf32, #tpu.memory_space<vmem>>, vector<256x32xf32>
    tpu.vector_store %arg3[%swap3A_856, %swap3A_857], %add3A_855 {strides = array<i32>} : memref<8192x32xf32, #tpu.memory_space<vmem>>, vector<256x32xf32>,
    %slice3A_859 = vector.extract_strided_slice %add3A_855 {offsets = [255, 0], sizes = [1, 32], strides = [1, 1]} : vector<256x32xf32> to vector<1x32xf32>
    %slice3A_860 = vector.extract_strided_slice %slice3A_821 {offsets = [255], sizes = [1], strides = [1]} : vector<256xi32> to vector<1xi32>
    %squeeze3A_861 = vector.extract %slice3A_860[0] : i32 from vector<1xi32>
    %slice3A_862 = vector.extract_strided_slice %get3A_5 {offsets = [5376], sizes = [256], strides = [1]} : vector<8192xi32> to vector<256xi32>
    %get3A_863 = arith.constant 5376 : index
    %get3A_864 = arith.constant 0 : index
    %get3A_865 = vector.load %arg1[%get3A_863, %get3A_864] : memref<8192x32xf32, #tpu.memory_space<vmem>>, vector<256x32xf32>
    %iota3A_866 = tpu.iota {dimensions = array<i32: 0>} : vector<256x1xi32>
    %iota3A_867 = tpu.iota {dimensions = array<i32: 1>} : vector<1x256xi32>
    %reshape3A_868 = vector.shape_cast %slice3A_862 : vector<256xi32> to vector<256x1xi32>
    %mul3A_869 = arith.constant 256 : i32
    %mul3A_870 = vector.broadcast %mul3A_869 : i32 to vector<256x1xi32>
    %mul3A_871 = arith.muli %reshape3A_868, %mul3A_870 : vector<256x1xi32>
    %add3A_872 = arith.addi %mul3A_871, %iota3A_866 : vector<256x1xi32>
    %reshape3A_873 = vector.shape_cast %slice3A_862 : vector<256xi32> to vector<1x256xi32>
    %mul3A_874 = arith.constant 256 : i32
    %mul3A_875 = vector.broadcast %mul3A_874 : i32 to vector<1x256xi32>
    %mul3A_876 = arith.muli %reshape3A_873, %mul3A_875 : vector<1x256xi32>
    %add3A_877 = arith.addi %mul3A_876, %iota3A_867 : vector<1x256xi32>
    %sub3A_878 = vector.broadcast %add3A_872 : vector<256x1xi32> to vector<256x256xi32>
    %sub3A_879 = vector.broadcast %add3A_877 : vector<1x256xi32> to vector<256x256xi32>
    %sub3A_880 = arith.subi %sub3A_878, %sub3A_879 : vector<256x256xi32>
    %lt3A_881 = arith.constant 256 : i32
    %lt3A_882 = vector.broadcast %lt3A_881 : i32 to vector<256x256xi32>
    %lt3A_883 = arith.cmpi ult, %sub3A_880, %lt3A_882 : vector<256x256xi32>
    %convert_element_type3A_884 = arith.extui %lt3A_883 : vector<256x256xi1> to vector<256x256xi32>
    %convert_element_type3A_885 = arith.sitofp %convert_element_type3A_884 : vector<256x256xi32> to vector<256x256xf32>
    %dot_general3A_886 = arith.constant dense<0.000000e+00> : vector<256x32xf32>
    %dot_general3A_887 = tpu.matmul %convert_element_type3A_885, %get3A_865, %dot_general3A_886 {dimension_numbers = #tpu.dot_dimension_numbers<[1], [0], [0], [1], [0, 0, 1, 1], [], []>, transpose_lhs_hint = false} : vector<256x256xf32>, vector<256x32xf32>, vector<256x32xf32> -> vector<256x32xf32>
    %eq3A_888 = vector.broadcast %squeeze3A_861 : i32 to vector<256xi32>
    %eq3A_889 = arith.cmpi eq, %slice3A_862, %eq3A_888 : vector<256xi32>
    %convert_element_type3A_890 = arith.extui %eq3A_889 : vector<256xi1> to vector<256xi32>
    %convert_element_type3A_891 = arith.sitofp %convert_element_type3A_890 : vector<256xi32> to vector<256xf32>
    %reshape3A_892 = vector.shape_cast %convert_element_type3A_891 : vector<256xf32> to vector<256x1xf32>
    %mul3A_893 = vector.broadcast %reshape3A_892 : vector<256x1xf32> to vector<256x32xf32>
    %mul3A_894 = vector.broadcast %slice3A_859 : vector<1x32xf32> to vector<256x32xf32>
    %mul3A_895 = arith.mulf %mul3A_893, %mul3A_894 : vector<256x32xf32>
    %add3A_896 = arith.addf %dot_general3A_887, %mul3A_895 : vector<256x32xf32>
    %swap3A_897 = arith.constant 5376 : index
    %swap3A_898 = arith.constant 0 : index
    %swap3A_899 = vector.load %arg3[%swap3A_897, %swap3A_898] : memref<8192x32xf32, #tpu.memory_space<vmem>>, vector<256x32xf32>
    tpu.vector_store %arg3[%swap3A_897, %swap3A_898], %add3A_896 {strides = array<i32>} : memref<8192x32xf32, #tpu.memory_space<vmem>>, vector<256x32xf32>,
    %slice3A_900 = vector.extract_strided_slice %add3A_896 {offsets = [255, 0], sizes = [1, 32], strides = [1, 1]} : vector<256x32xf32> to vector<1x32xf32>
    %slice3A_901 = vector.extract_strided_slice %slice3A_862 {offsets = [255], sizes = [1], strides = [1]} : vector<256xi32> to vector<1xi32>
    %squeeze3A_902 = vector.extract %slice3A_901[0] : i32 from vector<1xi32>
    %slice3A_903 = vector.extract_strided_slice %get3A_5 {offsets = [5632], sizes = [256], strides = [1]} : vector<8192xi32> to vector<256xi32>
    %get3A_904 = arith.constant 5632 : index
    %get3A_905 = arith.constant 0 : index
    %get3A_906 = vector.load %arg1[%get3A_904, %get3A_905] : memref<8192x32xf32, #tpu.memory_space<vmem>>, vector<256x32xf32>
    %iota3A_907 = tpu.iota {dimensions = array<i32: 0>} : vector<256x1xi32>
    %iota3A_908 = tpu.iota {dimensions = array<i32: 1>} : vector<1x256xi32>
    %reshape3A_909 = vector.shape_cast %slice3A_903 : vector<256xi32> to vector<256x1xi32>
    %mul3A_910 = arith.constant 256 : i32
    %mul3A_911 = vector.broadcast %mul3A_910 : i32 to vector<256x1xi32>
    %mul3A_912 = arith.muli %reshape3A_909, %mul3A_911 : vector<256x1xi32>
    %add3A_913 = arith.addi %mul3A_912, %iota3A_907 : vector<256x1xi32>
    %reshape3A_914 = vector.shape_cast %slice3A_903 : vector<256xi32> to vector<1x256xi32>
    %mul3A_915 = arith.constant 256 : i32
    %mul3A_916 = vector.broadcast %mul3A_915 : i32 to vector<1x256xi32>
    %mul3A_917 = arith.muli %reshape3A_914, %mul3A_916 : vector<1x256xi32>
    %add3A_918 = arith.addi %mul3A_917, %iota3A_908 : vector<1x256xi32>
    %sub3A_919 = vector.broadcast %add3A_913 : vector<256x1xi32> to vector<256x256xi32>
    %sub3A_920 = vector.broadcast %add3A_918 : vector<1x256xi32> to vector<256x256xi32>
    %sub3A_921 = arith.subi %sub3A_919, %sub3A_920 : vector<256x256xi32>
    %lt3A_922 = arith.constant 256 : i32
    %lt3A_923 = vector.broadcast %lt3A_922 : i32 to vector<256x256xi32>
    %lt3A_924 = arith.cmpi ult, %sub3A_921, %lt3A_923 : vector<256x256xi32>
    %convert_element_type3A_925 = arith.extui %lt3A_924 : vector<256x256xi1> to vector<256x256xi32>
    %convert_element_type3A_926 = arith.sitofp %convert_element_type3A_925 : vector<256x256xi32> to vector<256x256xf32>
    %dot_general3A_927 = arith.constant dense<0.000000e+00> : vector<256x32xf32>
    %dot_general3A_928 = tpu.matmul %convert_element_type3A_926, %get3A_906, %dot_general3A_927 {dimension_numbers = #tpu.dot_dimension_numbers<[1], [0], [0], [1], [0, 0, 1, 1], [], []>, transpose_lhs_hint = false} : vector<256x256xf32>, vector<256x32xf32>, vector<256x32xf32> -> vector<256x32xf32>
    %eq3A_929 = vector.broadcast %squeeze3A_902 : i32 to vector<256xi32>
    %eq3A_930 = arith.cmpi eq, %slice3A_903, %eq3A_929 : vector<256xi32>
    %convert_element_type3A_931 = arith.extui %eq3A_930 : vector<256xi1> to vector<256xi32>
    %convert_element_type3A_932 = arith.sitofp %convert_element_type3A_931 : vector<256xi32> to vector<256xf32>
    %reshape3A_933 = vector.shape_cast %convert_element_type3A_932 : vector<256xf32> to vector<256x1xf32>
    %mul3A_934 = vector.broadcast %reshape3A_933 : vector<256x1xf32> to vector<256x32xf32>
    %mul3A_935 = vector.broadcast %slice3A_900 : vector<1x32xf32> to vector<256x32xf32>
    %mul3A_936 = arith.mulf %mul3A_934, %mul3A_935 : vector<256x32xf32>
    %add3A_937 = arith.addf %dot_general3A_928, %mul3A_936 : vector<256x32xf32>
    %swap3A_938 = arith.constant 5632 : index
    %swap3A_939 = arith.constant 0 : index
    %swap3A_940 = vector.load %arg3[%swap3A_938, %swap3A_939] : memref<8192x32xf32, #tpu.memory_space<vmem>>, vector<256x32xf32>
    tpu.vector_store %arg3[%swap3A_938, %swap3A_939], %add3A_937 {strides = array<i32>} : memref<8192x32xf32, #tpu.memory_space<vmem>>, vector<256x32xf32>,
    %slice3A_941 = vector.extract_strided_slice %add3A_937 {offsets = [255, 0], sizes = [1, 32], strides = [1, 1]} : vector<256x32xf32> to vector<1x32xf32>
    %slice3A_942 = vector.extract_strided_slice %slice3A_903 {offsets = [255], sizes = [1], strides = [1]} : vector<256xi32> to vector<1xi32>
    %squeeze3A_943 = vector.extract %slice3A_942[0] : i32 from vector<1xi32>
    %slice3A_944 = vector.extract_strided_slice %get3A_5 {offsets = [5888], sizes = [256], strides = [1]} : vector<8192xi32> to vector<256xi32>
    %get3A_945 = arith.constant 5888 : index
    %get3A_946 = arith.constant 0 : index
    %get3A_947 = vector.load %arg1[%get3A_945, %get3A_946] : memref<8192x32xf32, #tpu.memory_space<vmem>>, vector<256x32xf32>
    %iota3A_948 = tpu.iota {dimensions = array<i32: 0>} : vector<256x1xi32>
    %iota3A_949 = tpu.iota {dimensions = array<i32: 1>} : vector<1x256xi32>
    %reshape3A_950 = vector.shape_cast %slice3A_944 : vector<256xi32> to vector<256x1xi32>
    %mul3A_951 = arith.constant 256 : i32
    %mul3A_952 = vector.broadcast %mul3A_951 : i32 to vector<256x1xi32>
    %mul3A_953 = arith.muli %reshape3A_950, %mul3A_952 : vector<256x1xi32>
    %add3A_954 = arith.addi %mul3A_953, %iota3A_948 : vector<256x1xi32>
    %reshape3A_955 = vector.shape_cast %slice3A_944 : vector<256xi32> to vector<1x256xi32>
    %mul3A_956 = arith.constant 256 : i32
    %mul3A_957 = vector.broadcast %mul3A_956 : i32 to vector<1x256xi32>
    %mul3A_958 = arith.muli %reshape3A_955, %mul3A_957 : vector<1x256xi32>
    %add3A_959 = arith.addi %mul3A_958, %iota3A_949 : vector<1x256xi32>
    %sub3A_960 = vector.broadcast %add3A_954 : vector<256x1xi32> to vector<256x256xi32>
    %sub3A_961 = vector.broadcast %add3A_959 : vector<1x256xi32> to vector<256x256xi32>
    %sub3A_962 = arith.subi %sub3A_960, %sub3A_961 : vector<256x256xi32>
    %lt3A_963 = arith.constant 256 : i32
    %lt3A_964 = vector.broadcast %lt3A_963 : i32 to vector<256x256xi32>
    %lt3A_965 = arith.cmpi ult, %sub3A_962, %lt3A_964 : vector<256x256xi32>
    %convert_element_type3A_966 = arith.extui %lt3A_965 : vector<256x256xi1> to vector<256x256xi32>
    %convert_element_type3A_967 = arith.sitofp %convert_element_type3A_966 : vector<256x256xi32> to vector<256x256xf32>
    %dot_general3A_968 = arith.constant dense<0.000000e+00> : vector<256x32xf32>
    %dot_general3A_969 = tpu.matmul %convert_element_type3A_967, %get3A_947, %dot_general3A_968 {dimension_numbers = #tpu.dot_dimension_numbers<[1], [0], [0], [1], [0, 0, 1, 1], [], []>, transpose_lhs_hint = false} : vector<256x256xf32>, vector<256x32xf32>, vector<256x32xf32> -> vector<256x32xf32>
    %eq3A_970 = vector.broadcast %squeeze3A_943 : i32 to vector<256xi32>
    %eq3A_971 = arith.cmpi eq, %slice3A_944, %eq3A_970 : vector<256xi32>
    %convert_element_type3A_972 = arith.extui %eq3A_971 : vector<256xi1> to vector<256xi32>
    %convert_element_type3A_973 = arith.sitofp %convert_element_type3A_972 : vector<256xi32> to vector<256xf32>
    %reshape3A_974 = vector.shape_cast %convert_element_type3A_973 : vector<256xf32> to vector<256x1xf32>
    %mul3A_975 = vector.broadcast %reshape3A_974 : vector<256x1xf32> to vector<256x32xf32>
    %mul3A_976 = vector.broadcast %slice3A_941 : vector<1x32xf32> to vector<256x32xf32>
    %mul3A_977 = arith.mulf %mul3A_975, %mul3A_976 : vector<256x32xf32>
    %add3A_978 = arith.addf %dot_general3A_969, %mul3A_977 : vector<256x32xf32>
    %swap3A_979 = arith.constant 5888 : index
    %swap3A_980 = arith.constant 0 : index
    %swap3A_981 = vector.load %arg3[%swap3A_979, %swap3A_980] : memref<8192x32xf32, #tpu.memory_space<vmem>>, vector<256x32xf32>
    tpu.vector_store %arg3[%swap3A_979, %swap3A_980], %add3A_978 {strides = array<i32>} : memref<8192x32xf32, #tpu.memory_space<vmem>>, vector<256x32xf32>,
    %slice3A_982 = vector.extract_strided_slice %add3A_978 {offsets = [255, 0], sizes = [1, 32], strides = [1, 1]} : vector<256x32xf32> to vector<1x32xf32>
    %slice3A_983 = vector.extract_strided_slice %slice3A_944 {offsets = [255], sizes = [1], strides = [1]} : vector<256xi32> to vector<1xi32>
    %squeeze3A_984 = vector.extract %slice3A_983[0] : i32 from vector<1xi32>
    %slice3A_985 = vector.extract_strided_slice %get3A_5 {offsets = [6144], sizes = [256], strides = [1]} : vector<8192xi32> to vector<256xi32>
    %get3A_986 = arith.constant 6144 : index
    %get3A_987 = arith.constant 0 : index
    %get3A_988 = vector.load %arg1[%get3A_986, %get3A_987] : memref<8192x32xf32, #tpu.memory_space<vmem>>, vector<256x32xf32>
    %iota3A_989 = tpu.iota {dimensions = array<i32: 0>} : vector<256x1xi32>
    %iota3A_990 = tpu.iota {dimensions = array<i32: 1>} : vector<1x256xi32>
    %reshape3A_991 = vector.shape_cast %slice3A_985 : vector<256xi32> to vector<256x1xi32>
    %mul3A_992 = arith.constant 256 : i32
    %mul3A_993 = vector.broadcast %mul3A_992 : i32 to vector<256x1xi32>
    %mul3A_994 = arith.muli %reshape3A_991, %mul3A_993 : vector<256x1xi32>
    %add3A_995 = arith.addi %mul3A_994, %iota3A_989 : vector<256x1xi32>
    %reshape3A_996 = vector.shape_cast %slice3A_985 : vector<256xi32> to vector<1x256xi32>
    %mul3A_997 = arith.constant 256 : i32
    %mul3A_998 = vector.broadcast %mul3A_997 : i32 to vector<1x256xi32>
    %mul3A_999 = arith.muli %reshape3A_996, %mul3A_998 : vector<1x256xi32>
    %add3A_1000 = arith.addi %mul3A_999, %iota3A_990 : vector<1x256xi32>
    %sub3A_1001 = vector.broadcast %add3A_995 : vector<256x1xi32> to vector<256x256xi32>
    %sub3A_1002 = vector.broadcast %add3A_1000 : vector<1x256xi32> to vector<256x256xi32>
    %sub3A_1003 = arith.subi %sub3A_1001, %sub3A_1002 : vector<256x256xi32>
    %lt3A_1004 = arith.constant 256 : i32
    %lt3A_1005 = vector.broadcast %lt3A_1004 : i32 to vector<256x256xi32>
    %lt3A_1006 = arith.cmpi ult, %sub3A_1003, %lt3A_1005 : vector<256x256xi32>
    %convert_element_type3A_1007 = arith.extui %lt3A_1006 : vector<256x256xi1> to vector<256x256xi32>
    %convert_element_type3A_1008 = arith.sitofp %convert_element_type3A_1007 : vector<256x256xi32> to vector<256x256xf32>
    %dot_general3A_1009 = arith.constant dense<0.000000e+00> : vector<256x32xf32>
    %dot_general3A_1010 = tpu.matmul %convert_element_type3A_1008, %get3A_988, %dot_general3A_1009 {dimension_numbers = #tpu.dot_dimension_numbers<[1], [0], [0], [1], [0, 0, 1, 1], [], []>, transpose_lhs_hint = false} : vector<256x256xf32>, vector<256x32xf32>, vector<256x32xf32> -> vector<256x32xf32>
    %eq3A_1011 = vector.broadcast %squeeze3A_984 : i32 to vector<256xi32>
    %eq3A_1012 = arith.cmpi eq, %slice3A_985, %eq3A_1011 : vector<256xi32>
    %convert_element_type3A_1013 = arith.extui %eq3A_1012 : vector<256xi1> to vector<256xi32>
    %convert_element_type3A_1014 = arith.sitofp %convert_element_type3A_1013 : vector<256xi32> to vector<256xf32>
    %reshape3A_1015 = vector.shape_cast %convert_element_type3A_1014 : vector<256xf32> to vector<256x1xf32>
    %mul3A_1016 = vector.broadcast %reshape3A_1015 : vector<256x1xf32> to vector<256x32xf32>
    %mul3A_1017 = vector.broadcast %slice3A_982 : vector<1x32xf32> to vector<256x32xf32>
    %mul3A_1018 = arith.mulf %mul3A_1016, %mul3A_1017 : vector<256x32xf32>
    %add3A_1019 = arith.addf %dot_general3A_1010, %mul3A_1018 : vector<256x32xf32>
    %swap3A_1020 = arith.constant 6144 : index
    %swap3A_1021 = arith.constant 0 : index
    %swap3A_1022 = vector.load %arg3[%swap3A_1020, %swap3A_1021] : memref<8192x32xf32, #tpu.memory_space<vmem>>, vector<256x32xf32>
    tpu.vector_store %arg3[%swap3A_1020, %swap3A_1021], %add3A_1019 {strides = array<i32>} : memref<8192x32xf32, #tpu.memory_space<vmem>>, vector<256x32xf32>,
    %slice3A_1023 = vector.extract_strided_slice %add3A_1019 {offsets = [255, 0], sizes = [1, 32], strides = [1, 1]} : vector<256x32xf32> to vector<1x32xf32>
    %slice3A_1024 = vector.extract_strided_slice %slice3A_985 {offsets = [255], sizes = [1], strides = [1]} : vector<256xi32> to vector<1xi32>
    %squeeze3A_1025 = vector.extract %slice3A_1024[0] : i32 from vector<1xi32>
    %slice3A_1026 = vector.extract_strided_slice %get3A_5 {offsets = [6400], sizes = [256], strides = [1]} : vector<8192xi32> to vector<256xi32>
    %get3A_1027 = arith.constant 6400 : index
    %get3A_1028 = arith.constant 0 : index
    %get3A_1029 = vector.load %arg1[%get3A_1027, %get3A_1028] : memref<8192x32xf32, #tpu.memory_space<vmem>>, vector<256x32xf32>
    %iota3A_1030 = tpu.iota {dimensions = array<i32: 0>} : vector<256x1xi32>
    %iota3A_1031 = tpu.iota {dimensions = array<i32: 1>} : vector<1x256xi32>
    %reshape3A_1032 = vector.shape_cast %slice3A_1026 : vector<256xi32> to vector<256x1xi32>
    %mul3A_1033 = arith.constant 256 : i32
    %mul3A_1034 = vector.broadcast %mul3A_1033 : i32 to vector<256x1xi32>
    %mul3A_1035 = arith.muli %reshape3A_1032, %mul3A_1034 : vector<256x1xi32>
    %add3A_1036 = arith.addi %mul3A_1035, %iota3A_1030 : vector<256x1xi32>
    %reshape3A_1037 = vector.shape_cast %slice3A_1026 : vector<256xi32> to vector<1x256xi32>
    %mul3A_1038 = arith.constant 256 : i32
    %mul3A_1039 = vector.broadcast %mul3A_1038 : i32 to vector<1x256xi32>
    %mul3A_1040 = arith.muli %reshape3A_1037, %mul3A_1039 : vector<1x256xi32>
    %add3A_1041 = arith.addi %mul3A_1040, %iota3A_1031 : vector<1x256xi32>
    %sub3A_1042 = vector.broadcast %add3A_1036 : vector<256x1xi32> to vector<256x256xi32>
    %sub3A_1043 = vector.broadcast %add3A_1041 : vector<1x256xi32> to vector<256x256xi32>
    %sub3A_1044 = arith.subi %sub3A_1042, %sub3A_1043 : vector<256x256xi32>
    %lt3A_1045 = arith.constant 256 : i32
    %lt3A_1046 = vector.broadcast %lt3A_1045 : i32 to vector<256x256xi32>
    %lt3A_1047 = arith.cmpi ult, %sub3A_1044, %lt3A_1046 : vector<256x256xi32>
    %convert_element_type3A_1048 = arith.extui %lt3A_1047 : vector<256x256xi1> to vector<256x256xi32>
    %convert_element_type3A_1049 = arith.sitofp %convert_element_type3A_1048 : vector<256x256xi32> to vector<256x256xf32>
    %dot_general3A_1050 = arith.constant dense<0.000000e+00> : vector<256x32xf32>
    %dot_general3A_1051 = tpu.matmul %convert_element_type3A_1049, %get3A_1029, %dot_general3A_1050 {dimension_numbers = #tpu.dot_dimension_numbers<[1], [0], [0], [1], [0, 0, 1, 1], [], []>, transpose_lhs_hint = false} : vector<256x256xf32>, vector<256x32xf32>, vector<256x32xf32> -> vector<256x32xf32>
    %eq3A_1052 = vector.broadcast %squeeze3A_1025 : i32 to vector<256xi32>
    %eq3A_1053 = arith.cmpi eq, %slice3A_1026, %eq3A_1052 : vector<256xi32>
    %convert_element_type3A_1054 = arith.extui %eq3A_1053 : vector<256xi1> to vector<256xi32>
    %convert_element_type3A_1055 = arith.sitofp %convert_element_type3A_1054 : vector<256xi32> to vector<256xf32>
    %reshape3A_1056 = vector.shape_cast %convert_element_type3A_1055 : vector<256xf32> to vector<256x1xf32>
    %mul3A_1057 = vector.broadcast %reshape3A_1056 : vector<256x1xf32> to vector<256x32xf32>
    %mul3A_1058 = vector.broadcast %slice3A_1023 : vector<1x32xf32> to vector<256x32xf32>
    %mul3A_1059 = arith.mulf %mul3A_1057, %mul3A_1058 : vector<256x32xf32>
    %add3A_1060 = arith.addf %dot_general3A_1051, %mul3A_1059 : vector<256x32xf32>
    %swap3A_1061 = arith.constant 6400 : index
    %swap3A_1062 = arith.constant 0 : index
    %swap3A_1063 = vector.load %arg3[%swap3A_1061, %swap3A_1062] : memref<8192x32xf32, #tpu.memory_space<vmem>>, vector<256x32xf32>
    tpu.vector_store %arg3[%swap3A_1061, %swap3A_1062], %add3A_1060 {strides = array<i32>} : memref<8192x32xf32, #tpu.memory_space<vmem>>, vector<256x32xf32>,
    %slice3A_1064 = vector.extract_strided_slice %add3A_1060 {offsets = [255, 0], sizes = [1, 32], strides = [1, 1]} : vector<256x32xf32> to vector<1x32xf32>
    %slice3A_1065 = vector.extract_strided_slice %slice3A_1026 {offsets = [255], sizes = [1], strides = [1]} : vector<256xi32> to vector<1xi32>
    %squeeze3A_1066 = vector.extract %slice3A_1065[0] : i32 from vector<1xi32>
    %slice3A_1067 = vector.extract_strided_slice %get3A_5 {offsets = [6656], sizes = [256], strides = [1]} : vector<8192xi32> to vector<256xi32>
    %get3A_1068 = arith.constant 6656 : index
    %get3A_1069 = arith.constant 0 : index
    %get3A_1070 = vector.load %arg1[%get3A_1068, %get3A_1069] : memref<8192x32xf32, #tpu.memory_space<vmem>>, vector<256x32xf32>
    %iota3A_1071 = tpu.iota {dimensions = array<i32: 0>} : vector<256x1xi32>
    %iota3A_1072 = tpu.iota {dimensions = array<i32: 1>} : vector<1x256xi32>
    %reshape3A_1073 = vector.shape_cast %slice3A_1067 : vector<256xi32> to vector<256x1xi32>
    %mul3A_1074 = arith.constant 256 : i32
    %mul3A_1075 = vector.broadcast %mul3A_1074 : i32 to vector<256x1xi32>
    %mul3A_1076 = arith.muli %reshape3A_1073, %mul3A_1075 : vector<256x1xi32>
    %add3A_1077 = arith.addi %mul3A_1076, %iota3A_1071 : vector<256x1xi32>
    %reshape3A_1078 = vector.shape_cast %slice3A_1067 : vector<256xi32> to vector<1x256xi32>
    %mul3A_1079 = arith.constant 256 : i32
    %mul3A_1080 = vector.broadcast %mul3A_1079 : i32 to vector<1x256xi32>
    %mul3A_1081 = arith.muli %reshape3A_1078, %mul3A_1080 : vector<1x256xi32>
    %add3A_1082 = arith.addi %mul3A_1081, %iota3A_1072 : vector<1x256xi32>
    %sub3A_1083 = vector.broadcast %add3A_1077 : vector<256x1xi32> to vector<256x256xi32>
    %sub3A_1084 = vector.broadcast %add3A_1082 : vector<1x256xi32> to vector<256x256xi32>
    %sub3A_1085 = arith.subi %sub3A_1083, %sub3A_1084 : vector<256x256xi32>
    %lt3A_1086 = arith.constant 256 : i32
    %lt3A_1087 = vector.broadcast %lt3A_1086 : i32 to vector<256x256xi32>
    %lt3A_1088 = arith.cmpi ult, %sub3A_1085, %lt3A_1087 : vector<256x256xi32>
    %convert_element_type3A_1089 = arith.extui %lt3A_1088 : vector<256x256xi1> to vector<256x256xi32>
    %convert_element_type3A_1090 = arith.sitofp %convert_element_type3A_1089 : vector<256x256xi32> to vector<256x256xf32>
    %dot_general3A_1091 = arith.constant dense<0.000000e+00> : vector<256x32xf32>
    %dot_general3A_1092 = tpu.matmul %convert_element_type3A_1090, %get3A_1070, %dot_general3A_1091 {dimension_numbers = #tpu.dot_dimension_numbers<[1], [0], [0], [1], [0, 0, 1, 1], [], []>, transpose_lhs_hint = false} : vector<256x256xf32>, vector<256x32xf32>, vector<256x32xf32> -> vector<256x32xf32>
    %eq3A_1093 = vector.broadcast %squeeze3A_1066 : i32 to vector<256xi32>
    %eq3A_1094 = arith.cmpi eq, %slice3A_1067, %eq3A_1093 : vector<256xi32>
    %convert_element_type3A_1095 = arith.extui %eq3A_1094 : vector<256xi1> to vector<256xi32>
    %convert_element_type3A_1096 = arith.sitofp %convert_element_type3A_1095 : vector<256xi32> to vector<256xf32>
    %reshape3A_1097 = vector.shape_cast %convert_element_type3A_1096 : vector<256xf32> to vector<256x1xf32>
    %mul3A_1098 = vector.broadcast %reshape3A_1097 : vector<256x1xf32> to vector<256x32xf32>
    %mul3A_1099 = vector.broadcast %slice3A_1064 : vector<1x32xf32> to vector<256x32xf32>
    %mul3A_1100 = arith.mulf %mul3A_1098, %mul3A_1099 : vector<256x32xf32>
    %add3A_1101 = arith.addf %dot_general3A_1092, %mul3A_1100 : vector<256x32xf32>
    %swap3A_1102 = arith.constant 6656 : index
    %swap3A_1103 = arith.constant 0 : index
    %swap3A_1104 = vector.load %arg3[%swap3A_1102, %swap3A_1103] : memref<8192x32xf32, #tpu.memory_space<vmem>>, vector<256x32xf32>
    tpu.vector_store %arg3[%swap3A_1102, %swap3A_1103], %add3A_1101 {strides = array<i32>} : memref<8192x32xf32, #tpu.memory_space<vmem>>, vector<256x32xf32>,
    %slice3A_1105 = vector.extract_strided_slice %add3A_1101 {offsets = [255, 0], sizes = [1, 32], strides = [1, 1]} : vector<256x32xf32> to vector<1x32xf32>
    %slice3A_1106 = vector.extract_strided_slice %slice3A_1067 {offsets = [255], sizes = [1], strides = [1]} : vector<256xi32> to vector<1xi32>
    %squeeze3A_1107 = vector.extract %slice3A_1106[0] : i32 from vector<1xi32>
    %slice3A_1108 = vector.extract_strided_slice %get3A_5 {offsets = [6912], sizes = [256], strides = [1]} : vector<8192xi32> to vector<256xi32>
    %get3A_1109 = arith.constant 6912 : index
    %get3A_1110 = arith.constant 0 : index
    %get3A_1111 = vector.load %arg1[%get3A_1109, %get3A_1110] : memref<8192x32xf32, #tpu.memory_space<vmem>>, vector<256x32xf32>
    %iota3A_1112 = tpu.iota {dimensions = array<i32: 0>} : vector<256x1xi32>
    %iota3A_1113 = tpu.iota {dimensions = array<i32: 1>} : vector<1x256xi32>
    %reshape3A_1114 = vector.shape_cast %slice3A_1108 : vector<256xi32> to vector<256x1xi32>
    %mul3A_1115 = arith.constant 256 : i32
    %mul3A_1116 = vector.broadcast %mul3A_1115 : i32 to vector<256x1xi32>
    %mul3A_1117 = arith.muli %reshape3A_1114, %mul3A_1116 : vector<256x1xi32>
    %add3A_1118 = arith.addi %mul3A_1117, %iota3A_1112 : vector<256x1xi32>
    %reshape3A_1119 = vector.shape_cast %slice3A_1108 : vector<256xi32> to vector<1x256xi32>
    %mul3A_1120 = arith.constant 256 : i32
    %mul3A_1121 = vector.broadcast %mul3A_1120 : i32 to vector<1x256xi32>
    %mul3A_1122 = arith.muli %reshape3A_1119, %mul3A_1121 : vector<1x256xi32>
    %add3A_1123 = arith.addi %mul3A_1122, %iota3A_1113 : vector<1x256xi32>
    %sub3A_1124 = vector.broadcast %add3A_1118 : vector<256x1xi32> to vector<256x256xi32>
    %sub3A_1125 = vector.broadcast %add3A_1123 : vector<1x256xi32> to vector<256x256xi32>
    %sub3A_1126 = arith.subi %sub3A_1124, %sub3A_1125 : vector<256x256xi32>
    %lt3A_1127 = arith.constant 256 : i32
    %lt3A_1128 = vector.broadcast %lt3A_1127 : i32 to vector<256x256xi32>
    %lt3A_1129 = arith.cmpi ult, %sub3A_1126, %lt3A_1128 : vector<256x256xi32>
    %convert_element_type3A_1130 = arith.extui %lt3A_1129 : vector<256x256xi1> to vector<256x256xi32>
    %convert_element_type3A_1131 = arith.sitofp %convert_element_type3A_1130 : vector<256x256xi32> to vector<256x256xf32>
    %dot_general3A_1132 = arith.constant dense<0.000000e+00> : vector<256x32xf32>
    %dot_general3A_1133 = tpu.matmul %convert_element_type3A_1131, %get3A_1111, %dot_general3A_1132 {dimension_numbers = #tpu.dot_dimension_numbers<[1], [0], [0], [1], [0, 0, 1, 1], [], []>, transpose_lhs_hint = false} : vector<256x256xf32>, vector<256x32xf32>, vector<256x32xf32> -> vector<256x32xf32>
    %eq3A_1134 = vector.broadcast %squeeze3A_1107 : i32 to vector<256xi32>
    %eq3A_1135 = arith.cmpi eq, %slice3A_1108, %eq3A_1134 : vector<256xi32>
    %convert_element_type3A_1136 = arith.extui %eq3A_1135 : vector<256xi1> to vector<256xi32>
    %convert_element_type3A_1137 = arith.sitofp %convert_element_type3A_1136 : vector<256xi32> to vector<256xf32>
    %reshape3A_1138 = vector.shape_cast %convert_element_type3A_1137 : vector<256xf32> to vector<256x1xf32>
    %mul3A_1139 = vector.broadcast %reshape3A_1138 : vector<256x1xf32> to vector<256x32xf32>
    %mul3A_1140 = vector.broadcast %slice3A_1105 : vector<1x32xf32> to vector<256x32xf32>
    %mul3A_1141 = arith.mulf %mul3A_1139, %mul3A_1140 : vector<256x32xf32>
    %add3A_1142 = arith.addf %dot_general3A_1133, %mul3A_1141 : vector<256x32xf32>
    %swap3A_1143 = arith.constant 6912 : index
    %swap3A_1144 = arith.constant 0 : index
    %swap3A_1145 = vector.load %arg3[%swap3A_1143, %swap3A_1144] : memref<8192x32xf32, #tpu.memory_space<vmem>>, vector<256x32xf32>
    tpu.vector_store %arg3[%swap3A_1143, %swap3A_1144], %add3A_1142 {strides = array<i32>} : memref<8192x32xf32, #tpu.memory_space<vmem>>, vector<256x32xf32>,
    %slice3A_1146 = vector.extract_strided_slice %add3A_1142 {offsets = [255, 0], sizes = [1, 32], strides = [1, 1]} : vector<256x32xf32> to vector<1x32xf32>
    %slice3A_1147 = vector.extract_strided_slice %slice3A_1108 {offsets = [255], sizes = [1], strides = [1]} : vector<256xi32> to vector<1xi32>
    %squeeze3A_1148 = vector.extract %slice3A_1147[0] : i32 from vector<1xi32>
    %slice3A_1149 = vector.extract_strided_slice %get3A_5 {offsets = [7168], sizes = [256], strides = [1]} : vector<8192xi32> to vector<256xi32>
    %get3A_1150 = arith.constant 7168 : index
    %get3A_1151 = arith.constant 0 : index
    %get3A_1152 = vector.load %arg1[%get3A_1150, %get3A_1151] : memref<8192x32xf32, #tpu.memory_space<vmem>>, vector<256x32xf32>
    %iota3A_1153 = tpu.iota {dimensions = array<i32: 0>} : vector<256x1xi32>
    %iota3A_1154 = tpu.iota {dimensions = array<i32: 1>} : vector<1x256xi32>
    %reshape3A_1155 = vector.shape_cast %slice3A_1149 : vector<256xi32> to vector<256x1xi32>
    %mul3A_1156 = arith.constant 256 : i32
    %mul3A_1157 = vector.broadcast %mul3A_1156 : i32 to vector<256x1xi32>
    %mul3A_1158 = arith.muli %reshape3A_1155, %mul3A_1157 : vector<256x1xi32>
    %add3A_1159 = arith.addi %mul3A_1158, %iota3A_1153 : vector<256x1xi32>
    %reshape3A_1160 = vector.shape_cast %slice3A_1149 : vector<256xi32> to vector<1x256xi32>
    %mul3A_1161 = arith.constant 256 : i32
    %mul3A_1162 = vector.broadcast %mul3A_1161 : i32 to vector<1x256xi32>
    %mul3A_1163 = arith.muli %reshape3A_1160, %mul3A_1162 : vector<1x256xi32>
    %add3A_1164 = arith.addi %mul3A_1163, %iota3A_1154 : vector<1x256xi32>
    %sub3A_1165 = vector.broadcast %add3A_1159 : vector<256x1xi32> to vector<256x256xi32>
    %sub3A_1166 = vector.broadcast %add3A_1164 : vector<1x256xi32> to vector<256x256xi32>
    %sub3A_1167 = arith.subi %sub3A_1165, %sub3A_1166 : vector<256x256xi32>
    %lt3A_1168 = arith.constant 256 : i32
    %lt3A_1169 = vector.broadcast %lt3A_1168 : i32 to vector<256x256xi32>
    %lt3A_1170 = arith.cmpi ult, %sub3A_1167, %lt3A_1169 : vector<256x256xi32>
    %convert_element_type3A_1171 = arith.extui %lt3A_1170 : vector<256x256xi1> to vector<256x256xi32>
    %convert_element_type3A_1172 = arith.sitofp %convert_element_type3A_1171 : vector<256x256xi32> to vector<256x256xf32>
    %dot_general3A_1173 = arith.constant dense<0.000000e+00> : vector<256x32xf32>
    %dot_general3A_1174 = tpu.matmul %convert_element_type3A_1172, %get3A_1152, %dot_general3A_1173 {dimension_numbers = #tpu.dot_dimension_numbers<[1], [0], [0], [1], [0, 0, 1, 1], [], []>, transpose_lhs_hint = false} : vector<256x256xf32>, vector<256x32xf32>, vector<256x32xf32> -> vector<256x32xf32>
    %eq3A_1175 = vector.broadcast %squeeze3A_1148 : i32 to vector<256xi32>
    %eq3A_1176 = arith.cmpi eq, %slice3A_1149, %eq3A_1175 : vector<256xi32>
    %convert_element_type3A_1177 = arith.extui %eq3A_1176 : vector<256xi1> to vector<256xi32>
    %convert_element_type3A_1178 = arith.sitofp %convert_element_type3A_1177 : vector<256xi32> to vector<256xf32>
    %reshape3A_1179 = vector.shape_cast %convert_element_type3A_1178 : vector<256xf32> to vector<256x1xf32>
    %mul3A_1180 = vector.broadcast %reshape3A_1179 : vector<256x1xf32> to vector<256x32xf32>
    %mul3A_1181 = vector.broadcast %slice3A_1146 : vector<1x32xf32> to vector<256x32xf32>
    %mul3A_1182 = arith.mulf %mul3A_1180, %mul3A_1181 : vector<256x32xf32>
    %add3A_1183 = arith.addf %dot_general3A_1174, %mul3A_1182 : vector<256x32xf32>
    %swap3A_1184 = arith.constant 7168 : index
    %swap3A_1185 = arith.constant 0 : index
    %swap3A_1186 = vector.load %arg3[%swap3A_1184, %swap3A_1185] : memref<8192x32xf32, #tpu.memory_space<vmem>>, vector<256x32xf32>
    tpu.vector_store %arg3[%swap3A_1184, %swap3A_1185], %add3A_1183 {strides = array<i32>} : memref<8192x32xf32, #tpu.memory_space<vmem>>, vector<256x32xf32>,
    %slice3A_1187 = vector.extract_strided_slice %add3A_1183 {offsets = [255, 0], sizes = [1, 32], strides = [1, 1]} : vector<256x32xf32> to vector<1x32xf32>
    %slice3A_1188 = vector.extract_strided_slice %slice3A_1149 {offsets = [255], sizes = [1], strides = [1]} : vector<256xi32> to vector<1xi32>
    %squeeze3A_1189 = vector.extract %slice3A_1188[0] : i32 from vector<1xi32>
    %slice3A_1190 = vector.extract_strided_slice %get3A_5 {offsets = [7424], sizes = [256], strides = [1]} : vector<8192xi32> to vector<256xi32>
    %get3A_1191 = arith.constant 7424 : index
    %get3A_1192 = arith.constant 0 : index
    %get3A_1193 = vector.load %arg1[%get3A_1191, %get3A_1192] : memref<8192x32xf32, #tpu.memory_space<vmem>>, vector<256x32xf32>
    %iota3A_1194 = tpu.iota {dimensions = array<i32: 0>} : vector<256x1xi32>
    %iota3A_1195 = tpu.iota {dimensions = array<i32: 1>} : vector<1x256xi32>
    %reshape3A_1196 = vector.shape_cast %slice3A_1190 : vector<256xi32> to vector<256x1xi32>
    %mul3A_1197 = arith.constant 256 : i32
    %mul3A_1198 = vector.broadcast %mul3A_1197 : i32 to vector<256x1xi32>
    %mul3A_1199 = arith.muli %reshape3A_1196, %mul3A_1198 : vector<256x1xi32>
    %add3A_1200 = arith.addi %mul3A_1199, %iota3A_1194 : vector<256x1xi32>
    %reshape3A_1201 = vector.shape_cast %slice3A_1190 : vector<256xi32> to vector<1x256xi32>
    %mul3A_1202 = arith.constant 256 : i32
    %mul3A_1203 = vector.broadcast %mul3A_1202 : i32 to vector<1x256xi32>
    %mul3A_1204 = arith.muli %reshape3A_1201, %mul3A_1203 : vector<1x256xi32>
    %add3A_1205 = arith.addi %mul3A_1204, %iota3A_1195 : vector<1x256xi32>
    %sub3A_1206 = vector.broadcast %add3A_1200 : vector<256x1xi32> to vector<256x256xi32>
    %sub3A_1207 = vector.broadcast %add3A_1205 : vector<1x256xi32> to vector<256x256xi32>
    %sub3A_1208 = arith.subi %sub3A_1206, %sub3A_1207 : vector<256x256xi32>
    %lt3A_1209 = arith.constant 256 : i32
    %lt3A_1210 = vector.broadcast %lt3A_1209 : i32 to vector<256x256xi32>
    %lt3A_1211 = arith.cmpi ult, %sub3A_1208, %lt3A_1210 : vector<256x256xi32>
    %convert_element_type3A_1212 = arith.extui %lt3A_1211 : vector<256x256xi1> to vector<256x256xi32>
    %convert_element_type3A_1213 = arith.sitofp %convert_element_type3A_1212 : vector<256x256xi32> to vector<256x256xf32>
    %dot_general3A_1214 = arith.constant dense<0.000000e+00> : vector<256x32xf32>
    %dot_general3A_1215 = tpu.matmul %convert_element_type3A_1213, %get3A_1193, %dot_general3A_1214 {dimension_numbers = #tpu.dot_dimension_numbers<[1], [0], [0], [1], [0, 0, 1, 1], [], []>, transpose_lhs_hint = false} : vector<256x256xf32>, vector<256x32xf32>, vector<256x32xf32> -> vector<256x32xf32>
    %eq3A_1216 = vector.broadcast %squeeze3A_1189 : i32 to vector<256xi32>
    %eq3A_1217 = arith.cmpi eq, %slice3A_1190, %eq3A_1216 : vector<256xi32>
    %convert_element_type3A_1218 = arith.extui %eq3A_1217 : vector<256xi1> to vector<256xi32>
    %convert_element_type3A_1219 = arith.sitofp %convert_element_type3A_1218 : vector<256xi32> to vector<256xf32>
    %reshape3A_1220 = vector.shape_cast %convert_element_type3A_1219 : vector<256xf32> to vector<256x1xf32>
    %mul3A_1221 = vector.broadcast %reshape3A_1220 : vector<256x1xf32> to vector<256x32xf32>
    %mul3A_1222 = vector.broadcast %slice3A_1187 : vector<1x32xf32> to vector<256x32xf32>
    %mul3A_1223 = arith.mulf %mul3A_1221, %mul3A_1222 : vector<256x32xf32>
    %add3A_1224 = arith.addf %dot_general3A_1215, %mul3A_1223 : vector<256x32xf32>
    %swap3A_1225 = arith.constant 7424 : index
    %swap3A_1226 = arith.constant 0 : index
    %swap3A_1227 = vector.load %arg3[%swap3A_1225, %swap3A_1226] : memref<8192x32xf32, #tpu.memory_space<vmem>>, vector<256x32xf32>
    tpu.vector_store %arg3[%swap3A_1225, %swap3A_1226], %add3A_1224 {strides = array<i32>} : memref<8192x32xf32, #tpu.memory_space<vmem>>, vector<256x32xf32>,
    %slice3A_1228 = vector.extract_strided_slice %add3A_1224 {offsets = [255, 0], sizes = [1, 32], strides = [1, 1]} : vector<256x32xf32> to vector<1x32xf32>
    %slice3A_1229 = vector.extract_strided_slice %slice3A_1190 {offsets = [255], sizes = [1], strides = [1]} : vector<256xi32> to vector<1xi32>
    %squeeze3A_1230 = vector.extract %slice3A_1229[0] : i32 from vector<1xi32>
    %slice3A_1231 = vector.extract_strided_slice %get3A_5 {offsets = [7680], sizes = [256], strides = [1]} : vector<8192xi32> to vector<256xi32>
    %get3A_1232 = arith.constant 7680 : index
    %get3A_1233 = arith.constant 0 : index
    %get3A_1234 = vector.load %arg1[%get3A_1232, %get3A_1233] : memref<8192x32xf32, #tpu.memory_space<vmem>>, vector<256x32xf32>
    %iota3A_1235 = tpu.iota {dimensions = array<i32: 0>} : vector<256x1xi32>
    %iota3A_1236 = tpu.iota {dimensions = array<i32: 1>} : vector<1x256xi32>
    %reshape3A_1237 = vector.shape_cast %slice3A_1231 : vector<256xi32> to vector<256x1xi32>
    %mul3A_1238 = arith.constant 256 : i32
    %mul3A_1239 = vector.broadcast %mul3A_1238 : i32 to vector<256x1xi32>
    %mul3A_1240 = arith.muli %reshape3A_1237, %mul3A_1239 : vector<256x1xi32>
    %add3A_1241 = arith.addi %mul3A_1240, %iota3A_1235 : vector<256x1xi32>
    %reshape3A_1242 = vector.shape_cast %slice3A_1231 : vector<256xi32> to vector<1x256xi32>
    %mul3A_1243 = arith.constant 256 : i32
    %mul3A_1244 = vector.broadcast %mul3A_1243 : i32 to vector<1x256xi32>
    %mul3A_1245 = arith.muli %reshape3A_1242, %mul3A_1244 : vector<1x256xi32>
    %add3A_1246 = arith.addi %mul3A_1245, %iota3A_1236 : vector<1x256xi32>
    %sub3A_1247 = vector.broadcast %add3A_1241 : vector<256x1xi32> to vector<256x256xi32>
    %sub3A_1248 = vector.broadcast %add3A_1246 : vector<1x256xi32> to vector<256x256xi32>
    %sub3A_1249 = arith.subi %sub3A_1247, %sub3A_1248 : vector<256x256xi32>
    %lt3A_1250 = arith.constant 256 : i32
    %lt3A_1251 = vector.broadcast %lt3A_1250 : i32 to vector<256x256xi32>
    %lt3A_1252 = arith.cmpi ult, %sub3A_1249, %lt3A_1251 : vector<256x256xi32>
    %convert_element_type3A_1253 = arith.extui %lt3A_1252 : vector<256x256xi1> to vector<256x256xi32>
    %convert_element_type3A_1254 = arith.sitofp %convert_element_type3A_1253 : vector<256x256xi32> to vector<256x256xf32>
    %dot_general3A_1255 = arith.constant dense<0.000000e+00> : vector<256x32xf32>
    %dot_general3A_1256 = tpu.matmul %convert_element_type3A_1254, %get3A_1234, %dot_general3A_1255 {dimension_numbers = #tpu.dot_dimension_numbers<[1], [0], [0], [1], [0, 0, 1, 1], [], []>, transpose_lhs_hint = false} : vector<256x256xf32>, vector<256x32xf32>, vector<256x32xf32> -> vector<256x32xf32>
    %eq3A_1257 = vector.broadcast %squeeze3A_1230 : i32 to vector<256xi32>
    %eq3A_1258 = arith.cmpi eq, %slice3A_1231, %eq3A_1257 : vector<256xi32>
    %convert_element_type3A_1259 = arith.extui %eq3A_1258 : vector<256xi1> to vector<256xi32>
    %convert_element_type3A_1260 = arith.sitofp %convert_element_type3A_1259 : vector<256xi32> to vector<256xf32>
    %reshape3A_1261 = vector.shape_cast %convert_element_type3A_1260 : vector<256xf32> to vector<256x1xf32>
    %mul3A_1262 = vector.broadcast %reshape3A_1261 : vector<256x1xf32> to vector<256x32xf32>
    %mul3A_1263 = vector.broadcast %slice3A_1228 : vector<1x32xf32> to vector<256x32xf32>
    %mul3A_1264 = arith.mulf %mul3A_1262, %mul3A_1263 : vector<256x32xf32>
    %add3A_1265 = arith.addf %dot_general3A_1256, %mul3A_1264 : vector<256x32xf32>
    %swap3A_1266 = arith.constant 7680 : index
    %swap3A_1267 = arith.constant 0 : index
    %swap3A_1268 = vector.load %arg3[%swap3A_1266, %swap3A_1267] : memref<8192x32xf32, #tpu.memory_space<vmem>>, vector<256x32xf32>
    tpu.vector_store %arg3[%swap3A_1266, %swap3A_1267], %add3A_1265 {strides = array<i32>} : memref<8192x32xf32, #tpu.memory_space<vmem>>, vector<256x32xf32>,
    %slice3A_1269 = vector.extract_strided_slice %add3A_1265 {offsets = [255, 0], sizes = [1, 32], strides = [1, 1]} : vector<256x32xf32> to vector<1x32xf32>
    %slice3A_1270 = vector.extract_strided_slice %slice3A_1231 {offsets = [255], sizes = [1], strides = [1]} : vector<256xi32> to vector<1xi32>
    %squeeze3A_1271 = vector.extract %slice3A_1270[0] : i32 from vector<1xi32>
    %slice3A_1272 = vector.extract_strided_slice %get3A_5 {offsets = [7936], sizes = [256], strides = [1]} : vector<8192xi32> to vector<256xi32>
    %get3A_1273 = arith.constant 7936 : index
    %get3A_1274 = arith.constant 0 : index
    %get3A_1275 = vector.load %arg1[%get3A_1273, %get3A_1274] : memref<8192x32xf32, #tpu.memory_space<vmem>>, vector<256x32xf32>
    %iota3A_1276 = tpu.iota {dimensions = array<i32: 0>} : vector<256x1xi32>
    %iota3A_1277 = tpu.iota {dimensions = array<i32: 1>} : vector<1x256xi32>
    %reshape3A_1278 = vector.shape_cast %slice3A_1272 : vector<256xi32> to vector<256x1xi32>
    %mul3A_1279 = arith.constant 256 : i32
    %mul3A_1280 = vector.broadcast %mul3A_1279 : i32 to vector<256x1xi32>
    %mul3A_1281 = arith.muli %reshape3A_1278, %mul3A_1280 : vector<256x1xi32>
    %add3A_1282 = arith.addi %mul3A_1281, %iota3A_1276 : vector<256x1xi32>
    %reshape3A_1283 = vector.shape_cast %slice3A_1272 : vector<256xi32> to vector<1x256xi32>
    %mul3A_1284 = arith.constant 256 : i32
    %mul3A_1285 = vector.broadcast %mul3A_1284 : i32 to vector<1x256xi32>
    %mul3A_1286 = arith.muli %reshape3A_1283, %mul3A_1285 : vector<1x256xi32>
    %add3A_1287 = arith.addi %mul3A_1286, %iota3A_1277 : vector<1x256xi32>
    %sub3A_1288 = vector.broadcast %add3A_1282 : vector<256x1xi32> to vector<256x256xi32>
    %sub3A_1289 = vector.broadcast %add3A_1287 : vector<1x256xi32> to vector<256x256xi32>
    %sub3A_1290 = arith.subi %sub3A_1288, %sub3A_1289 : vector<256x256xi32>
    %lt3A_1291 = arith.constant 256 : i32
    %lt3A_1292 = vector.broadcast %lt3A_1291 : i32 to vector<256x256xi32>
    %lt3A_1293 = arith.cmpi ult, %sub3A_1290, %lt3A_1292 : vector<256x256xi32>
    %convert_element_type3A_1294 = arith.extui %lt3A_1293 : vector<256x256xi1> to vector<256x256xi32>
    %convert_element_type3A_1295 = arith.sitofp %convert_element_type3A_1294 : vector<256x256xi32> to vector<256x256xf32>
    %dot_general3A_1296 = arith.constant dense<0.000000e+00> : vector<256x32xf32>
    %dot_general3A_1297 = tpu.matmul %convert_element_type3A_1295, %get3A_1275, %dot_general3A_1296 {dimension_numbers = #tpu.dot_dimension_numbers<[1], [0], [0], [1], [0, 0, 1, 1], [], []>, transpose_lhs_hint = false} : vector<256x256xf32>, vector<256x32xf32>, vector<256x32xf32> -> vector<256x32xf32>
    %eq3A_1298 = vector.broadcast %squeeze3A_1271 : i32 to vector<256xi32>
    %eq3A_1299 = arith.cmpi eq, %slice3A_1272, %eq3A_1298 : vector<256xi32>
    %convert_element_type3A_1300 = arith.extui %eq3A_1299 : vector<256xi1> to vector<256xi32>
    %convert_element_type3A_1301 = arith.sitofp %convert_element_type3A_1300 : vector<256xi32> to vector<256xf32>
    %reshape3A_1302 = vector.shape_cast %convert_element_type3A_1301 : vector<256xf32> to vector<256x1xf32>
    %mul3A_1303 = vector.broadcast %reshape3A_1302 : vector<256x1xf32> to vector<256x32xf32>
    %mul3A_1304 = vector.broadcast %slice3A_1269 : vector<1x32xf32> to vector<256x32xf32>
    %mul3A_1305 = arith.mulf %mul3A_1303, %mul3A_1304 : vector<256x32xf32>
    %add3A_1306 = arith.addf %dot_general3A_1297, %mul3A_1305 : vector<256x32xf32>
    %swap3A_1307 = arith.constant 7936 : index
    %swap3A_1308 = arith.constant 0 : index
    %swap3A_1309 = vector.load %arg3[%swap3A_1307, %swap3A_1308] : memref<8192x32xf32, #tpu.memory_space<vmem>>, vector<256x32xf32>
    tpu.vector_store %arg3[%swap3A_1307, %swap3A_1308], %add3A_1306 {strides = array<i32>} : memref<8192x32xf32, #tpu.memory_space<vmem>>, vector<256x32xf32>,
    %slice3A_1310 = vector.extract_strided_slice %add3A_1306 {offsets = [255, 0], sizes = [1, 32], strides = [1, 1]} : vector<256x32xf32> to vector<1x32xf32>
    %slice3A_1311 = vector.extract_strided_slice %slice3A_1272 {offsets = [255], sizes = [1], strides = [1]} : vector<256xi32> to vector<1xi32>
    %squeeze3A_1312 = vector.extract %slice3A_1311[0] : i32 from vector<1xi32>
    %swap3A_1313 = arith.constant 0 : index
    %swap3A_1314 = arith.constant 0 : index
    %swap3A_1315 = vector.load %arg4[%swap3A_1313, %swap3A_1314] : memref<1x32xf32, #tpu.memory_space<vmem>>, vector<1x32xf32>
    tpu.vector_store %arg4[%swap3A_1313, %swap3A_1314], %slice3A_1310 {strides = array<i32>} : memref<1x32xf32, #tpu.memory_space<vmem>>, vector<1x32xf32>,
    %swap3A_1316 = arith.constant 0 : index
    %swap3A_1317 = memref.load %arg5[%swap3A_1316] : memref<1xi32, #tpu.memory_space<smem>>
    memref.store %squeeze3A_1312, %arg5[%swap3A_1316] : memref<1xi32, #tpu.memory_space<smem>>
    return
  }
  func.func @transform_0(%arg0: i32) -> (i32, i32) {
    %c0_i32 = arith.constant 0 : i32
    %c0_i32_0 = arith.constant 0 : i32
    return %arg0, %c0_i32 : i32, i32
  }
  func.func @transform_1(%arg0: i32) -> (i32, i32, i32) {
    %c0_i32 = arith.constant 0 : i32
    %c0_i32_0 = arith.constant 0 : i32
    %c0_i32_1 = arith.constant 0 : i32
    return %arg0, %c0_i32, %c0_i32_0 : i32, i32, i32
  }
  func.func @transform_2(%arg0: i32) -> (i32, i32) {
    %c0_i32 = arith.constant 0 : i32
    %c0_i32_0 = arith.constant 0 : i32
    return %arg0, %c0_i32 : i32, i32
  }
}

</mosaic_0001>

<sc_bundles>
// kernel: kernel.4.cloned.1.call-start
scs
__scs_entry_jumppad:
0x0: {  	(pc) =	sbr.rel $0x88, $3  }
0x1: {  	(tag) =	ssettag $0x0;
	lr =	simm.s32 $0x1  }
0x2: {  	[smem:$0x3F9F] =	sst lr;
	_ =	strace $0xD0000000  }
0x3: {  	_ = 	snop  }
0x4: {  	_ = 	snop  }
0x5: {  	_ = 	snop  }
0x6: {  	_ = 	snop  }
0x7: {  	_ = 	snop  }
__scs_overlays_trampoline_lowered:
0x8: {  	[smem:$0x3FAE] =	sst s0  }
0x9: {  	[smem:$0x3FAF] =	sst s1  }
0xa: {  	[smem:$0x3FB0] =	sst s2  }
0xb: {  	[smem:$0x3FB1] =	sst s3  }
0xc: {  	[smem:$0x3FB2] =	sst s4  }
0xd: {  	[smem:$0x3FB3] =	sst s5  }
0xe: {  	[smem:$0x3FB4] =	sst s6  }
0xf: {  	[smem:$0x3FB5] =	sst s7  }
0x10: {  	[smem:$0x3FB6] =	sst s8  }
0x11: {  	[smem:$0x3FB7] =	sst s9;
	s0 =	simm.s32 @!p0 $0x0  }
0x12: {  	s1 =	sld [smem:$0x3F9D];
	s0 =	simm.s32 @p0 $0x1  }
0x13: {  	[smem:$0x3FB8] =	sst s0;
	s0 =	simm.s32 @!p1 $0x0  }
0x14: {  	s2 =	sld [smem:$0x3F9C];
	s0 =	simm.s32 @p1 $0x1  }
0x15: {  	[smem:$0x3FB9] =	sst s0;
	s0 =	simm.s32 @!p2 $0x0  }
0x16: {  	s3 =	sld [smem:$0x3FDB];
	s0 =	simm.s32 @p2 $0x1  }
0x17: {  	s4 =	simm.s32 $0x1BF5;
	[smem:$0x3FBB] =	sst s0  }
0x18: {  	s0 =	sld [smem:$0x3F9E];
	_ =	swait.ge [sflag:s4], $0x0  }
0x19: {  	s7 =	sld [smem:$0x3F9F]  }
0x1a: {  	s8 =	sadd.s32 $0xFFFFE003, lr  }
0x1b: {  	s9 =	sadd.s32 $0xFFFFFEF7, lr;
	s5 =	simm.s32 $0xFFFFFFFF;
	p2 =	slt.u32 s8, $0xFFFFF086  }
0x1c: {  	p1 =	slt.u32 s9, $0xF7A;
	s5 =	simm.s32 @!p2 $0x0  }
0x1d: {  	s5 =	simm.s32 @p1 $0x1;
	p0 =	seq.s32 s7, s2  }
0x1e: {  	s7 =	smul.u32 @!p0 $0xF7A, s2;
	p2 =	seq.s32 @!p0 s5, $0x0  }
0x1f: {  	s9 =	smul.u32 $0xF7A, s1;
	s8 =	simm.s32 @!p0 $0x1BF5;
	p2 =	por !p2, p0  }
0x20: {  	[sflag:s8] =	ssyncset.s32 @!p0 $0xFFFFF086;
	s6 =	sadd.s32 @!p0 s3, s7;
	s7 =	simm.s32 @!p0 $0x108  }
0x21: {  	s3 =	sadd.s32 s3, s9;
	s6 =	sadd.s32 @!p0 $0x88, s6;
	s7 =	simm.s32 @p2 $0x1082  }
0x22: {  	[simem:s7], [sflag:s8] =	dma.local @!p0 [hbm:s6], $0xF7A  }
0x23: {  	s9 =	sor.u32 $0xD0000000, s2;
	s6 =	simm.s32 $0x108;
	_ =	swait.ge @!p0 [sflag:s8], $0x0  }
0x24: {  	s3 =	sadd.s32 $0x88, s3;
	s6 =	simm.s32 @!p1 $0x1082;
	[sflag:s4] =	ssyncset.s32 $0xFFFFF086  }
0x25: {  	[simem:s6], [sflag:s4] =	dma.local [hbm:s3], $0xF7A  }
0x26: {  	[smem:$0x3F9F] =	sst s1;
	(tag) =	ssettag s2;
	_ =	strace s9  }
0x27: {  	s1 =	sld [smem:$0x3FAF]  }
0x28: {  	s2 =	sld [smem:$0x3FB0]  }
0x29: {  	s4 =	sld [smem:$0x3FB2]  }
0x2a: {  	p0 =	seq.s32 s5, $0x0;
	s5 =	sld [smem:$0x3FB3]  }
0x2b: {  	s6 =	sld [smem:$0x3FB4]  }
0x2c: {  	s7 =	sld [smem:$0x3FB5]  }
0x2d: {  	s3 =	simm.s32 $0x108;
	s8 =	sld [smem:$0x3FB6]  }
0x2e: {  	s3 =	simm.s32 @!p0 $0x1082;
	s9 =	sld [smem:$0x3FB7]  }
0x2f: {  	lr =	sadd.s32 s0, s3;
	s0 =	sld [smem:$0x3FAE]  }
0x30: {  	s3 =	sld [smem:$0x3FB1]  }
0x31: {  	[smem:$0x3FBA] =	sst s10  }
0x32: {  	s10 =	sld [smem:$0x3FB8];
	_ =	sdelay $0x3  }
0x33: {  	p0 =	seq.s32 s10, $0x1;
	s10 =	sld [smem:$0x3FBA];
	_ =	sdelay $0x3  }
0x34: {  	[smem:$0x3FBA] =	sst s10  }
0x35: {  	s10 =	sld [smem:$0x3FB9];
	_ =	sdelay $0x3  }
0x36: {  	p1 =	seq.s32 s10, $0x1;
	s10 =	sld [smem:$0x3FBA];
	_ =	sdelay $0x3  }
0x37: {  	[smem:$0x3FBA] =	sst s10  }
0x38: {  	s10 =	sld [smem:$0x3FBB]  }
0x39: {  	_ = 	snop;
	(pc) =	sbr.ind lr, $3  }
0x3a: {  	_ = 	snop  }
0x3b: {  	_ = 	snop  }
0x3c: {  	p2 =	seq.s32 s10, $0x1;
	s10 =	sld [smem:$0x3FBA]  }
0x3d: {  	_ =	shalt  }
0x3e: {  	_ =	shalt  }
0x3f: {  	_ =	shalt  }
0x40: {  	_ =	shalt  }
0x41: {  	_ =	shalt  }
0x42: {  	_ =	shalt  }
0x43: {  	_ =	shalt  }
0x44: {  	_ =	shalt  }
0x45: {  	_ =	shalt  }
0x46: {  	_ =	shalt  }
0x47: {  	_ =	shalt  }
0x48: {  	_ =	shalt  }
0x49: {  	_ =	shalt  }
0x4a: {  	_ =	shalt  }
0x4b: {  	_ =	shalt  }
0x4c: {  	_ =	shalt  }
0x4d: {  	_ =	shalt  }
0x4e: {  	_ =	shalt  }
0x4f: {  	_ =	shalt  }
0x50: {  	_ =	shalt  }
0x51: {  	_ =	shalt  }
0x52: {  	_ =	shalt  }
0x53: {  	_ =	shalt  }
0x54: {  	_ =	shalt  }
0x55: {  	_ =	shalt  }
0x56: {  	_ =	shalt  }
0x57: {  	_ =	shalt  }
0x58: {  	_ =	shalt  }
0x59: {  	_ =	shalt  }
0x5a: {  	_ =	shalt  }
0x5b: {  	_ =	shalt  }
0x5c: {  	_ =	shalt  }
0x5d: {  	_ =	shalt  }
0x5e: {  	_ =	shalt  }
0x5f: {  	_ =	shalt  }
0x60: {  	_ =	shalt  }
0x61: {  	_ =	shalt  }
0x62: {  	_ =	shalt  }
0x63: {  	_ =	shalt  }
0x64: {  	_ =	shalt  }
0x65: {  	_ =	shalt  }
0x66: {  	_ =	shalt  }
0x67: {  	_ =	shalt  }
0x68: {  	_ =	shalt  }
0x69: {  	_ =	shalt  }
0x6a: {  	_ =	shalt  }
0x6b: {  	_ =	shalt  }
0x6c: {  	_ =	shalt  }
0x6d: {  	_ =	shalt  }
0x6e: {  	_ =	shalt  }
0x6f: {  	_ =	shalt  }
0x70: {  	_ =	shalt  }
0x71: {  	_ =	shalt  }
0x72: {  	_ =	shalt  }
0x73: {  	_ =	shalt  }
0x74: {  	_ =	shalt  }
0x75: {  	_ =	shalt  }
0x76: {  	_ =	shalt  }
0x77: {  	_ =	shalt  }
0x78: {  	_ =	shalt  }
0x79: {  	_ =	shalt  }
0x7a: {  	_ =	shalt  }
0x7b: {  	_ =	shalt  }
0x7c: {  	_ =	shalt  }
0x7d: {  	_ =	shalt  }
0x7e: {  	_ =	shalt  }
0x7f: {  	_ =	shalt  }
0x80: {  	_ =	shalt  }
0x81: {  	_ =	shalt  }
0x82: {  	_ =	shalt  }
0x83: {  	_ =	shalt  }
0x84: {  	_ =	shalt  }
0x85: {  	_ =	shalt  }
0x86: {  	_ =	shalt  }
0x87: {  	_ =	shalt  }
.Lfunc_end0:
.L_simem_size_0:
called_computation_lowered:
.L_overlay_start_0:
0x88: {  	s2 =	sld [smem:$0x3FD9]  }
0x89: {  	s3 =	sld [smem:$0x3FFE];
	_ =	sdelay $0x1  }
0x8a: {  	s1 =	srdreg.scid  }
0x8b: {  	s0 =	sand.u32 $0x1, s1  }
0x8c: {  	s14 =	sshll.u32 s0, $0xA;
	s2 =	sadd.s32 s3, s2  }
0x8d: {  	s2 =	sadd.s32 s2, s14  }
0x8e: {  	[smem:$0x3FC6] =	sst s2  }
0x8f: {  	_ = 	snop  }
0x90: {  	s2 =	sld [smem:$0x3FD0];
	_ =	sdelay $0x2  }
0x91: {  	s4 =	simm.s32 $0xA;
	s5 =	simm.s32 $0x10;
	s15 =	sld [smem:$0x3FC8]  }
0x92: {  	[smem:s5], [sflag:s4] =	dma.local [hbm:s2], $0x1  }
0x93: {  	_ =	swait.eq [sflag:s4], $0x1  }
0x94: {  	[sflag:s4] =	ssyncset.done $0x0  }
0x95: {  	[sflag:s4] =	ssyncadd.s32 $0xFFFFFFFF  }
0x96: {  	s16 =	sld [smem:$0x10];
	(tm) =	ssettm $0x1  }
0x97: {  	s17 =	sld [smem:$0x3FFB];
	_ =	sdelay $0x3  }
0x98: {  	_ =	strace s17  }
0x99: {  	s4 =	sld [smem:$0x3FFC];
	_ =	sdelay $0x3  }
0x9a: {  	_ =	strace s4  }
0x9b: {  	s4 =	sld [smem:$0x3FFD];
	_ =	sdelay $0x3  }
0x9c: {  	_ =	strace s4  }
0x9d: {  	_ =	strace $0x8FFFFFFF  }
0x9e: {  	s18 =	sld [smem:$0x3FDB];
	_ =	sdelay $0x1  }
0x9f: {  	s19 =	simm.s32 $_scs_section_size  }
0xa0: {  	s6 =	simm.s32 $_size__tile_overlayer_lowered;
	s7 =	simm.s32 $_tile_overlayer_lowered  }
0xa1: {  	s22 =	simm.s32 $0x1BFF;
	s21 =	sshll.u32 s7, $0x1;
	s4 =	sadd.s32 s19, s18  }
0xa2: {  	s8 =	simm.s32 $0x0;
	s20 =	sshll.u32 s6, $0x1;
	s6 =	sadd.s32 s21, s4  }
0xa3: {  	[timem:s8], [sflag:s22] =	dma.local [hbm:s6], s20  }
0xa4: {  	_ =	swait.ge [sflag:s22], s20  }
0xa5: {  	s5 =	ssub.s32 $0x0, s20;
	[sflag:s22] =	ssyncset.done $0x0  }
0xa6: {  	[sflag:s22] =	ssyncadd.s32 s5;
	_ =	sdelay $0x1  }
0xa7: {  	s23 =	simm.s32 $0x1B8B  }
0xa8: {  	_ =	swait.ge [sflag:s23], $0x1  }
0xa9: {  	[sflag:s23] =	ssyncset.done $0x0  }
0xaa: {  	s25 =	simm.s32 $0x1B8E;
	s24 =	sld [smem:$0x3FFE];
	[sflag:s23] =	ssyncadd.s32 $0xFFFFFFFF  }
0xab: {  	s26 =	simm.s32 $execute0_lowered;
	[smem:$0x3FD2] =	sst s25  }
0xac: {  	s6 =	sshll.u32 s26, $0x1;
	_ =	strace $0x80000046;
	[dreg:$0x1] =	wrdreg $0xFFFFFFFF  }
0xad: {  	s28 =	simm.s32 $_size_execute0_lowered;
	s4 =	sadd.s32 s4, s6;
	[dreg:$0x0] =	wrdreg $0x0  }
0xae: {  	s6 =	sshll.u32 s28, $0x1;
	[dreg:$0x2] =	wrdreg s4  }
0xaf: {  	[dreg:$0x3] =	wrdreg s6  }
0xb0: {  	[dreg:$0x4] =	wrdreg $0xC0  }
0xb1: {  	_ =	task [dreg:s8], $0x5FFFF  }
0xb2: {  	[dreg:$0x1] =	wrdreg $0xFFFFFFFF  }
0xb3: {  	[dreg:$0x0] =	wrdreg $0x60  }
0xb4: {  	[dreg:$0x2] =	wrdreg s24  }
0xb5: {  	[dreg:$0x3] =	wrdreg s15  }
0xb6: {  	[dreg:$0x4] =	wrdreg s16  }
0xb7: {  	[dreg:$0x5] =	wrdreg $0x0  }
0xb8: {  	[dreg:$0x6] =	wrdreg $0x9  }
0xb9: {  	_ =	task.clear_ibuf [dreg:s8], $0x7FFFF;
	_ =	strace $0x90000046  }
0xba: {  	s29 =	simm.s32 $0x9;
	_ =	strace $0x80000048  }
0xbb: {  	_ =	swait.ge [sflag:s29], $0x1  }
0xbc: {  	[sflag:s29] =	ssyncadd.s32 $0xFFFFFFFF  }
0xbd: {  	_ =	strace $0x90000048  }
0xbe: {  	_ =	sfence  }
0xbf: {  	s30 =	sld [smem:$0x0];
	_ =	sdelay $0x2  }
0xc0: {  	s31 =	sshll.u32 s1, $0xD;
	s1 =	sshrl.u32 s1, $0x2  }
0xc1: {  	s3 =	sand.u32 $0x4000, s31;
	s1 =	sadd.s32 s1, s30  }
0xc2: {  	s0 =	sor.u32 s3, s0;
	s1 =	sshll.u32 s1, $0x11  }
0xc3: {  	s0 =	sor.u32 s1, s0  }
0xc4: {  	s0 =	sadd.s32 $0x8F2B, s0  }
0xc5: {  	[sflag:s0] =	ssyncadd.remote.s32 $0x1  }
0xc6: {  	_ =	sfence.sel $0xFFFF  }
0xc7: {  	[dreg:$0x0] =	wrdreg $0xFFFFFFFF;
	(pc) =	sbr.abs _section_cstart, $3  }
0xc8: {  	[dreg:$0x1] =	wrdreg $0xFFFFFFFF  }
0xc9: {  	_ =	task.clear_ibuf [dreg:s8], $0x2FFFF;
	_ =	strace $0x9FFFFFFF  }
0xca: {  	(tm) =	ssettm $0x7FFFFFFF  }
0xcb: {  	_ =	shalt  }
tec
execute0_lowered:
.L_overlay_start_1:
0x0: {  	(tag) =	ssettag $0x1  }
0x1: {  	s1 =	srdreg.scid  }
0x2: {  	s1 =	sand.u32 $0x1, s1  }
0x3: {  	s3 =	rddreg [dreg:$0x0];
	p0 =	seq.s32 s1, $0x1  }
.Ltmp0:
0x4: {  	s9 =	rddreg [dreg:$0x1];
	(pc) =	sbr.rel @p0 .LBB2_6-.Ltmp0, $4  }
0x5: {  	s4 =	rddreg [dreg:$0x2]  }
0x6: {  	s2 =	rddreg [dreg:$0x3];
	s5 =	simm.s32 $0x0  }
0x7: {  	[smem:$0x7FF] =	sst s5  }
0x8: {  	s0 =	rddreg [dreg:$0x4];
	_ =	strace $0x80000047;
	s1 =	stileid.u32  }
0x9: {  	s5 =	sshll.u32 s1, $0xD;
	s6 =	sadd.s32 $0x400600, s3;
	s7 =	sshll.u32 s1, $0x10  }
0xa: {  	s10 =	sshll.u32 s1, $0xB;
	s31 =	sshll.u32 s1, $0xA;
	s8 =	simm.s32 $0x0  }
0xb: {  	v0 =	vimm.f32 $0.0e+00;
	s3 =	sadd.s32 s5, s2;
	s4 =	sadd.s32 s4, s31;
	s5 =	simm.s32 $0x80  }
.LBB2_2:
0xc: {  	p0 =	sne.s32 s5, $0x7F80;
	[tilespmem:s8+$0x2000] =	vst v0;
	s11 =	smov.u32 s5;
	s5 =	sadd.s32 $0x80, s5  }
.Ltmp1:
0xd: {  	[tilespmem:s8+$0x2010] =	vst v0;
	(pc) =	sbr.rel @p0 .LBB2_2-.Ltmp1, $2  }
0xe: {  	_ =	sdelay $0x2  }
0xf: {  	s8 =	sshra.s32 s11, $0x2  }
0x10: {  	[tilespmem:s8+$0x2000] =	vst v0  }
0x11: {  	[tilespmem:s8+$0x2010] =	vst v0;
	s5 =	simm.s32 $0x2000  }
0x12: {  	[spmem:s3] =	stream.linear.scatter [tilespmem:s5], [sflag:$0x1], $0x2000, $0x38;
	[tilespmem:$0xC400] =	vst v63  }
0x13: {  	s5 =	simm.s32 $0x1  }
0x14: {  	_ =	swait.ge [sflag:s5], $0x2000  }
0x15: {  	[sflag:s5] =	ssyncset.done $0x0  }
0x16: {  	s6 =	sadd.s32 s7, s6;
	[sflag:s5] =	ssyncadd.s32 $0xFFFFE000  }
0x17: {  	s7 =	simm.s32 $0x0;
	s8 =	simm.s32 $0x4000;
	[bflag:$0x0] =	sbarrier.arrive $0xFFFF  }
0x18: {  	[tilespmem:s8], [sflag:$0x1] =	stream.linear.gather [hbm4b:s6+s7], $0x8000, $0x38;
	[tilespmem:$0xC400] =	vst v63  }
0x19: {  	_ =	swait.ge [sflag:s5], $0x8000  }
0x1a: {  	s9 =	sadd.s32 s10, s9;
	[sflag:s5] =	ssyncset.done $0x0  }
0x1b: {  	s10 =	simm.s32 $0xC000;
	s11 =	sadd.s32 $0x0, s9;
	[sflag:s5] =	ssyncadd.s32 $0xFFFF8000  }
0x1c: {  	[tilespmem:s10], [sflag:$0x1] =	stream.linear.gather [hbm4b:s11+s7], $0x400, $0x38;
	[tilespmem:$0xC400] =	vst v63  }
0x1d: {  	_ =	swait.ge [sflag:s5], $0x400  }
0x1e: {  	[sflag:s5] =	ssyncset.done $0x0  }
0x1f: {  	s11 =	simm.s32 $0x80;
	[sflag:s5] =	ssyncadd.s32 $0xFFFFFC00  }
0x20: {  	[spmem:s2] =	stream.indirect.scatter.add.f32 [tilespmem:s8], [sflag:$0x1], $0x20, s10, s11, $0xb8;
	[tilespmem:$0xC400] =	vst v63  }
0x21: {  	_ =	swait.ge [sflag:s5], $0x1000  }
0x22: {  	[sflag:s5] =	ssyncset.done $0x0  }
0x23: {  	s12 =	simm.s32 $0xC080;
	s13 =	simm.s32 $0x5000;
	[sflag:s5] =	ssyncadd.s32 $0xFFFFF000  }
0x24: {  	[spmem:s2] =	stream.indirect.scatter.add.f32 [tilespmem:s13], [sflag:$0x1], $0x20, s12, s11, $0xb8;
	[tilespmem:$0xC400] =	vst v63  }
0x25: {  	_ =	swait.ge [sflag:s5], $0x1000  }
0x26: {  	[sflag:s5] =	ssyncset.done $0x0  }
0x27: {  	s14 =	simm.s32 $0xC100;
	s15 =	simm.s32 $0x6000;
	[sflag:s5] =	ssyncadd.s32 $0xFFFFF000  }
0x28: {  	[spmem:s2] =	stream.indirect.scatter.add.f32 [tilespmem:s15], [sflag:$0x1], $0x20, s14, s11, $0xb8;
	[tilespmem:$0xC400] =	vst v63  }
0x29: {  	_ =	swait.ge [sflag:s5], $0x1000  }
0x2a: {  	[sflag:s5] =	ssyncset.done $0x0  }
0x2b: {  	s16 =	simm.s32 $0xC180;
	s17 =	simm.s32 $0x7000;
	[sflag:s5] =	ssyncadd.s32 $0xFFFFF000  }
0x2c: {  	[spmem:s2] =	stream.indirect.scatter.add.f32 [tilespmem:s17], [sflag:$0x1], $0x20, s16, s11, $0xb8;
	[tilespmem:$0xC400] =	vst v63  }
0x2d: {  	_ =	swait.ge [sflag:s5], $0x1000  }
0x2e: {  	[sflag:s5] =	ssyncset.done $0x0  }
0x2f: {  	s18 =	simm.s32 $0xC200;
	s19 =	simm.s32 $0x8000;
	[sflag:s5] =	ssyncadd.s32 $0xFFFFF000  }
0x30: {  	[spmem:s2] =	stream.indirect.scatter.add.f32 [tilespmem:s19], [sflag:$0x1], $0x20, s18, s11, $0xb8;
	[tilespmem:$0xC400] =	vst v63  }
0x31: {  	_ =	swait.ge [sflag:s5], $0x1000  }
0x32: {  	[sflag:s5] =	ssyncset.done $0x0  }
0x33: {  	s20 =	simm.s32 $0xC280;
	s21 =	simm.s32 $0x9000;
	[sflag:s5] =	ssyncadd.s32 $0xFFFFF000  }
0x34: {  	[spmem:s2] =	stream.indirect.scatter.add.f32 [tilespmem:s21], [sflag:$0x1], $0x20, s20, s11, $0xb8;
	[tilespmem:$0xC400] =	vst v63  }
0x35: {  	_ =	swait.ge [sflag:s5], $0x1000  }
0x36: {  	[sflag:s5] =	ssyncset.done $0x0  }
0x37: {  	s22 =	simm.s32 $0xC300;
	s23 =	simm.s32 $0xA000;
	[sflag:s5] =	ssyncadd.s32 $0xFFFFF000  }
0x38: {  	[spmem:s2] =	stream.indirect.scatter.add.f32 [tilespmem:s23], [sflag:$0x1], $0x20, s22, s11, $0xb8;
	[tilespmem:$0xC400] =	vst v63  }
0x39: {  	_ =	swait.ge [sflag:s5], $0x1000  }
0x3a: {  	[sflag:s5] =	ssyncset.done $0x0  }
0x3b: {  	s24 =	simm.s32 $0xC380;
	s25 =	simm.s32 $0xB000;
	[sflag:s5] =	ssyncadd.s32 $0xFFFFF000  }
0x3c: {  	[spmem:s2] =	stream.indirect.scatter.add.f32 [tilespmem:s25], [sflag:$0x1], $0x20, s24, s11, $0xb8;
	[tilespmem:$0xC400] =	vst v63  }
0x3d: {  	_ =	swait.ge [sflag:s5], $0x1000  }
0x3e: {  	s26 =	simm.s32 $0x80;
	[sflag:s5] =	ssyncset.done $0x0  }
.LBB2_4:
0x3f: {  	p0 =	sne.s32 s26, $0x780;
	[sflag:s5] =	ssyncadd.s32 $0xFFFFF000;
	s6 =	sadd.s32 $0x1000, s6  }
0x40: {  	[tilespmem:s8], [sflag:$0x1] =	stream.linear.gather [hbm4b:s6+s7], $0x8000, $0x38;
	[tilespmem:$0xC400] =	vst v63  }
0x41: {  	s28 =	smov.u32 s26;
	s26 =	sadd.s32 $0x80, s26;
	_ =	swait.ge [sflag:s5], $0x8000  }
0x42: {  	[sflag:s5] =	ssyncset.done $0x0  }
0x43: {  	s28 =	sadd.s32 s28, s9;
	[sflag:s5] =	ssyncadd.s32 $0xFFFF8000  }
0x44: {  	[tilespmem:s10], [sflag:$0x1] =	stream.linear.gather [hbm4b:s28+s7], $0x400, $0x38;
	[tilespmem:$0xC400] =	vst v63  }
0x45: {  	_ =	swait.ge [sflag:s5], $0x400  }
0x46: {  	[sflag:s5] =	ssyncset.done $0x0  }
0x47: {  	[sflag:s5] =	ssyncadd.s32 $0xFFFFFC00  }
0x48: {  	[spmem:s2] =	stream.indirect.scatter.add.f32 [tilespmem:s8], [sflag:$0x1], $0x20, s10, s11, $0xb8;
	[tilespmem:$0xC400] =	vst v63  }
0x49: {  	_ =	swait.ge [sflag:s5], $0x1000  }
0x4a: {  	[sflag:s5] =	ssyncset.done $0x0  }
0x4b: {  	[sflag:s5] =	ssyncadd.s32 $0xFFFFF000  }
0x4c: {  	[spmem:s2] =	stream.indirect.scatter.add.f32 [tilespmem:s13], [sflag:$0x1], $0x20, s12, s11, $0xb8;
	[tilespmem:$0xC400] =	vst v63  }
0x4d: {  	_ =	swait.ge [sflag:s5], $0x1000  }
0x4e: {  	[sflag:s5] =	ssyncset.done $0x0  }
0x4f: {  	[sflag:s5] =	ssyncadd.s32 $0xFFFFF000  }
0x50: {  	[spmem:s2] =	stream.indirect.scatter.add.f32 [tilespmem:s15], [sflag:$0x1], $0x20, s14, s11, $0xb8;
	[tilespmem:$0xC400] =	vst v63  }
0x51: {  	_ =	swait.ge [sflag:s5], $0x1000  }
0x52: {  	[sflag:s5] =	ssyncset.done $0x0  }
0x53: {  	[sflag:s5] =	ssyncadd.s32 $0xFFFFF000  }
0x54: {  	[spmem:s2] =	stream.indirect.scatter.add.f32 [tilespmem:s17], [sflag:$0x1], $0x20, s16, s11, $0xb8;
	[tilespmem:$0xC400] =	vst v63  }
0x55: {  	_ =	swait.ge [sflag:s5], $0x1000  }
0x56: {  	[sflag:s5] =	ssyncset.done $0x0  }
0x57: {  	[sflag:s5] =	ssyncadd.s32 $0xFFFFF000  }
0x58: {  	[spmem:s2] =	stream.indirect.scatter.add.f32 [tilespmem:s19], [sflag:$0x1], $0x20, s18, s11, $0xb8;
	[tilespmem:$0xC400] =	vst v63  }
0x59: {  	_ =	swait.ge [sflag:s5], $0x1000  }
0x5a: {  	[sflag:s5] =	ssyncset.done $0x0  }
0x5b: {  	[sflag:s5] =	ssyncadd.s32 $0xFFFFF000  }
0x5c: {  	[spmem:s2] =	stream.indirect.scatter.add.f32 [tilespmem:s21], [sflag:$0x1], $0x20, s20, s11, $0xb8;
	[tilespmem:$0xC400] =	vst v63  }
0x5d: {  	_ =	swait.ge [sflag:s5], $0x1000  }
0x5e: {  	[sflag:s5] =	ssyncset.done $0x0  }
0x5f: {  	[sflag:s5] =	ssyncadd.s32 $0xFFFFF000  }
0x60: {  	[spmem:s2] =	stream.indirect.scatter.add.f32 [tilespmem:s23], [sflag:$0x1], $0x20, s22, s11, $0xb8;
	[tilespmem:$0xC400] =	vst v63  }
0x61: {  	_ =	swait.ge [sflag:s5], $0x1000  }
.Ltmp2:
0x62: {  	[sflag:s5] =	ssyncset.done $0x0;
	(pc) =	sbr.rel @p0 .LBB2_4-.Ltmp2, $4  }
0x63: {  	[sflag:s5] =	ssyncadd.s32 $0xFFFFF000  }
0x64: {  	[spmem:s2] =	stream.indirect.scatter.add.f32 [tilespmem:s25], [sflag:$0x1], $0x20, s24, s11, $0xb8;
	[tilespmem:$0xC400] =	vst v63  }
0x65: {  	_ =	swait.ge [sflag:s5], $0x1000  }
0x66: {  	[sflag:s5] =	ssyncset.done $0x0  }
0x67: {  	[sflag:s5] =	ssyncadd.s32 $0xFFFFF000;
	s2 =	sshll.u32 s1, $0x6;
	s3 =	sshrl.u32 s3, $0x3  }
0x68: {  	s31 =	simm.s32 $0x1;
	[bflag:$0x0] =	sbarrier.arrive $0xFFFF;
	s2 =	sor.u32 $0x1C01, s2  }
0x69: {  	[hbm:s4], [sflag:s2] =	dma.local [spmem:s3], $0x400  }
0x6a: {  	_ =	swait.ge [sflag:s31], $0x400  }
0x6b: {  	[sflag:s31] =	ssyncset.done $0x0  }
0x6c: {  	[sflag:s31] =	ssyncadd.s32 $0xFFFFFC00  }
.LBB2_6:
0x6d: {  	_ =	sfence.sel $0x180000  }
0x6e: {  	[bflag:$0x0] =	sbarrier.arrive $0xFFFF  }
0x6f: {  	p0 =	sne.s32 s1, $0x0;
	_ =	strace $0x90000047  }
0x70: {  	s0 =	sadd.s32 @!p0 $0x100000, s0;
	[bflag:$0x2] =	sbarrier.arrive $0xFFFF  }
0x71: {  	[sflag:s0] =	ssyncadd.tile.s32 @!p0 $0x1;
	_ =	shalt  }
.Lfunc_end2:
_tile_overlayer_lowered:
.L_overlay_start_2:
0x72: {  	(tag) =	ssettag $0x2  }
0x73: {  	s0 =	rddreg [dreg:$0x0];
	s2 =	stileid.u32  }
0x74: {  	s1 =	rddreg [dreg:$0x1];
	p0 =	sne.s32 s2, $0x0  }
0x75: {  	s3 =	rddreg [dreg:$0x2];
	[bflag:$0x3] =	sbarrier.arrive $0xFFFF;
	s2 =	simm.s32 @!p0 $0x1C01  }
0x76: {  	[timem:s3], [sflag:s2] =	dma.local @!p0 [hbm:s0], s1  }
0x77: {  	s0 =	simm.s32 @!p0 $0x1  }
0x78: {  	_ =	swait.ge @!p0 [sflag:s0], s1  }
0x79: {  	s1 =	ssub.s32 @!p0 $0x0, s1;
	[sflag:s0] =	ssyncset.done @!p0 $0x0  }
0x7a: {  	[sflag:s0] =	ssyncadd.s32 @!p0 s1  }
0x7b: {  	[bflag:$0x3] =	sbarrier.arrive $0xFFFF  }
0x7c: {  	_ =	shalt  }

</sc_bundles>
